<compile_context>
chip_gen: v7x
topology: tpu7x:2x2x1
jax: 0.10.2.dev20260603
libtpu: 0.0.44.dev20260713+nightly
codegen_flags: <defaults>
</compile_context>

<pallas_src>
import jax
import jax.numpy as jnp
from jax import lax
from jax.experimental import pallas as pl
from jax.experimental.pallas import tpu as pltpu
from jax.experimental.pallas import tpu_sc as plsc

VOCAB = 23236
EMBED_DIM = 1728
BATCH = 64
SEQ = 512
N = BATCH * SEQ

NC = 2
NS = 16
NW = NC * NS
PER_W = N // NW
ROWS_W = PER_W // SEQ
CHUNK = 32
NCHUNK = PER_W // CHUNK
CPR = SEQ // CHUNK
NB = 2
NPIECE = EMBED_DIM // 128
EDGE = EMBED_DIM - NPIECE * 128
PIECES = [(0, 512), (512, 512), (1024, 512), (1536, 128)]
NP1 = len(PIECES) + 1


def _gather_body(idx_hbm, table_hbm, tail_hbm, out_hbm, eout_hbm, idx_v, *rest):
    bufs = rest[: NB * NP1]
    gsems = rest[NB * NP1 : NB * NP1 + NB]
    wsems = rest[NB * NP1 + NB :]
    wid = lax.axis_index("s") * NC + lax.axis_index("c")
    row0 = wid * ROWS_W
    band = row0 // 8
    sub = row0 % 8
    pltpu.sync_copy(idx_hbm.at[pl.ds(band * 8, 8)], idx_v)

    def idx_slc(c):
        return idx_v.at[sub + c // CPR, pl.ds((c % CPR) * CHUNK, CHUNK)]

    def gathers(c, b):
        idx = idx_slc(c)
        cps = []
        for p, (off, width) in enumerate(PIECES):
            cps.append(
                pltpu.make_async_copy(
                    table_hbm.at[idx, pl.ds(off, width)],
                    bufs[b * NP1 + p],
                    gsems[b],
                )
            )
        cps.append(
            pltpu.make_async_copy(
                tail_hbm.at[idx], bufs[b * NP1 + len(PIECES)], gsems[b]
            )
        )
        return cps

    def writes(c, b):
        r = row0 + c // CPR
        col = (c % CPR) * CHUNK
        cps = []
        for p, (off, width) in enumerate(PIECES):
            cps.append(
                pltpu.make_async_copy(
                    bufs[b * NP1 + p],
                    out_hbm.at[r, pl.ds(col, CHUNK), pl.ds(off, width)],
                    wsems[b],
                )
            )
        cps.append(
            pltpu.make_async_copy(
                bufs[b * NP1 + len(PIECES)],
                eout_hbm.at[r, pl.ds(col, CHUNK)],
                wsems[b],
            )
        )
        return cps

    for cp in gathers(0, 0):
        cp.start()

    @pl.loop(0, NCHUNK, step=NB)
    def _(c0):
        for b in range(NB):
            c = c0 + b
            for cp in gathers(c, b):
                cp.wait()
            nb = (b + 1) % NB

            @pl.when(c + 1 < NCHUNK)
            def _():
                @pl.when(c + 1 >= NB)
                def _():
                    for cp in writes(c + 1 - NB, nb):
                        cp.wait()

                for cp in gathers(c + 1, nb):
                    cp.start()

            for cp in writes(c, b):
                cp.start()

    for c in range(NCHUNK - NB, NCHUNK):
        for cp in writes(c, c % NB):
            cp.wait()


_gather = pl.kernel(
    _gather_body,
    out_type=(
        jax.ShapeDtypeStruct((BATCH, SEQ, EMBED_DIM), jnp.float32),
        jax.ShapeDtypeStruct((BATCH, SEQ, 128), jnp.float32),
    ),
    mesh=plsc.VectorSubcoreMesh(core_axis_name="c", subcore_axis_name="s"),
    scratch_types=[
        pltpu.VMEM((8, SEQ), jnp.int32),
        *[
            pltpu.VMEM((CHUNK, w), jnp.float32)
            for _ in range(NB)
            for w in [*(w for _, w in PIECES), 128]
        ],
        *[pltpu.SemaphoreType.DMA for _ in range(2 * NB)],
    ],
    compiler_params=pltpu.CompilerParams(use_tc_tiling_on_sc=True),
)


@jax.jit
def kernel(inputs, table):
    tail = jnp.pad(table[:, NPIECE * 128 :], ((0, 0), (0, 128 - EDGE)))
    main, edge = _gather(inputs.astype(jnp.int32), table, tail)
    return lax.dynamic_update_slice(
        main, edge[:, :, :EDGE], (0, 0, NPIECE * 128)
    )

# --- scband reference (transcript-rebuilt; emitter-appended) ---
"""Pipeline reference for scband-glyph-embedding-77567109365790 (READ-ONLY COPY).

The authoritative reference and input builder live on the scoring server;
editing this copy changes nothing except your own understanding.
"""

import jax, jax.numpy as jnp
import numpy as np

VOCAB = 23236
FONT_NUM = 3
FONT_SIZE = 24
EMBED_DIM = FONT_NUM * FONT_SIZE * FONT_SIZE  # 1728
BATCH = 64
SEQ = 512


def setup_inputs(seed: int = 0) -> dict:
    key = jax.random.key(seed)
    k_idx, k_tab = jax.random.split(key)
    inputs = jax.random.randint(k_idx, (BATCH, SEQ), 0, VOCAB, dtype=jnp.int64 if jax.config.jax_enable_x64 else jnp.int32)
    # Embedding table stands in for the stacked/flattened font arrays
    # (np.stack(font_arrays, axis=1).reshape([vocab, -1]))
    table = jax.random.normal(k_tab, (VOCAB, EMBED_DIM), dtype=jnp.float32)
    return {"inputs": inputs, "table": table}


def reference(inputs, table):
    # Equivalent to tf.keras.layers.Embedding(vocab, font_num*font_size**2)(inputs)
    # -> [batch, seq, font_num * font_size * font_size]
    return jnp.take(table, inputs, axis=0)

if __name__ == "__main__":
    import jax
    _d = setup_inputs()
    print(jax.jit(kernel)(*tuple(_d.values())))

</pallas_src>

<mosaic_0001>
#map = affine_map<(d0, d1) -> (0, 0)>
#map1 = affine_map<(d0, d1) -> (0, 0, 0)>
module attributes {stable_mosaic.version = 14 : i64} {
  func.func @_gather_body(%arg0: i32, %arg1: i32, %arg2: memref<64x512xi32, #tpu.memory_space<hbm>>, %arg3: memref<23236x1728xf32, #tpu.memory_space<hbm>>, %arg4: memref<23236x128xf32, #tpu.memory_space<hbm>>, %arg5: memref<64x512x1728xf32, #tpu.memory_space<hbm>>, %arg6: memref<64x512x128xf32, #tpu.memory_space<hbm>>, %arg7: memref<8x512xi32, #tpu.memory_space<vmem>>, %arg8: memref<32x512xf32, #tpu.memory_space<vmem>>, %arg9: memref<32x512xf32, #tpu.memory_space<vmem>>, %arg10: memref<32x512xf32, #tpu.memory_space<vmem>>, %arg11: memref<32x128xf32, #tpu.memory_space<vmem>>, %arg12: memref<32x128xf32, #tpu.memory_space<vmem>>, %arg13: memref<32x512xf32, #tpu.memory_space<vmem>>, %arg14: memref<32x512xf32, #tpu.memory_space<vmem>>, %arg15: memref<32x512xf32, #tpu.memory_space<vmem>>, %arg16: memref<32x128xf32, #tpu.memory_space<vmem>>, %arg17: memref<32x128xf32, #tpu.memory_space<vmem>>, %arg18: memref<!tpu.dma_semaphore, #tpu.memory_space<semaphore_mem>>, %arg19: memref<!tpu.dma_semaphore, #tpu.memory_space<semaphore_mem>>, %arg20: memref<!tpu.dma_semaphore, #tpu.memory_space<semaphore_mem>>, %arg21: memref<!tpu.dma_semaphore, #tpu.memory_space<semaphore_mem>>) attributes {dimension_semantics = [#tpu.dimension_semantics<core_parallel>, #tpu.dimension_semantics<subcore_parallel>], iteration_bounds = array<i64: 2, 16>, scalar_prefetch = 0 : i64, scratch_operands = 15 : i64, tpu.core_type = #tpu.core_type<sc_vector_subcore>, window_params = [{transform_indices = #map}, {transform_indices = #map}, {transform_indices = #map}, {transform_indices = #map1}, {transform_indices = #map1}]} {
    %mul3A = arith.constant 2 : i32
    %mul3A_0 = arith.muli %arg1, %mul3A : i32
    %add3A = arith.addi %mul3A_0, %arg0 : i32
    %mul3A_1 = arith.constant 2 : i32
    %mul3A_2 = arith.muli %add3A, %mul3A_1 : i32
    %jit3A = arith.constant 8 : i32
    %div3A = arith.divsi %mul3A_2, %jit3A : i32
    %sign3A = arith.constant 0 : i32
    %sign3A_3 = arith.cmpi sgt, %mul3A_2, %sign3A : i32
    %sign3A_4 = arith.extui %sign3A_3 : i1 to i32
    %sign3A_5 = arith.constant 0 : i32
    %sign3A_6 = arith.cmpi slt, %mul3A_2, %sign3A_5 : i32
    %sign3A_7 = arith.extui %sign3A_6 : i1 to i32
    %sign3A_8 = arith.subi %sign3A_4, %sign3A_7 : i32
    %sign3A_9 = arith.constant 0 : i32
    %sign3A_10 = arith.cmpi sgt, %jit3A, %sign3A_9 : i32
    %sign3A_11 = arith.extui %sign3A_10 : i1 to i32
    %sign3A_12 = arith.constant 0 : i32
    %sign3A_13 = arith.cmpi slt, %jit3A, %sign3A_12 : i32
    %sign3A_14 = arith.extui %sign3A_13 : i1 to i32
    %sign3A_15 = arith.subi %sign3A_11, %sign3A_14 : i32
    %ne3A = arith.cmpi ne, %sign3A_8, %sign3A_15 : i32
    %rem3A = arith.remsi %mul3A_2, %jit3A : i32
    %ne3A_16 = arith.constant 0 : i32
    %ne3A_17 = arith.cmpi ne, %rem3A, %ne3A_16 : i32
    %and3A = arith.andi %ne3A, %ne3A_17 : i1
    %sub3A = arith.constant 1 : i32
    %sub3A_18 = arith.subi %div3A, %sub3A : i32
    %select_n3A = arith.select %and3A, %sub3A_18, %div3A : i32
    %jit3A_19 = arith.constant 8 : i32
    %eq3A = arith.constant 0 : i32
    %eq3A_20 = arith.cmpi eq, %jit3A_19, %eq3A : i32
    %jit3A_21 = arith.constant 1 : i32
    %select_n3A_22 = arith.select %eq3A_20, %jit3A_21, %jit3A_19 : i32
    %rem3A_23 = arith.remsi %mul3A_2, %select_n3A_22 : i32
    %ne3A_24 = arith.constant 0 : i32
    %ne3A_25 = arith.cmpi ne, %rem3A_23, %ne3A_24 : i32
    %lt3A = arith.constant 0 : i32
    %lt3A_26 = arith.cmpi slt, %rem3A_23, %lt3A : i32
    %lt3A_27 = arith.constant 0 : i32
    %lt3A_28 = arith.cmpi slt, %select_n3A_22, %lt3A_27 : i32
    %ne3A_29 = arith.xori %lt3A_26, %lt3A_28 : i1
    %and3A_30 = arith.andi %ne3A_29, %ne3A_25 : i1
    %add3A_31 = arith.addi %rem3A_23, %select_n3A_22 : i32
    %select_n3A_32 = arith.select %and3A_30, %add3A_31, %rem3A_23 : i32
    %mul3A_33 = arith.constant 8 : i32
    %mul3A_34 = arith.muli %select_n3A, %mul3A_33 : i32
    "tpu.region"() ({
      %run_scoped3A = tpu.sem_alloc : memref<!tpu.dma_semaphore, #tpu.memory_space<semaphore_mem>>
      %dma_start3A_153 = arith.constant 0 : i32
      %dma_start3A_154 = tpu.memref_slice %arg2[%mul3A_34, %dma_start3A_153] : memref<64x512xi32, #tpu.memory_space<hbm>> -> memref<8x512xi32, #tpu.memory_space<hbm>>
      %dma_start3A_155 = arith.constant 0 : i32
      %dma_start3A_156 = tpu.memref_slice %arg2[%mul3A_34, %dma_start3A_155] : memref<64x512xi32, #tpu.memory_space<hbm>> -> memref<8x512xi32, #tpu.memory_space<hbm>>
      tpu.enqueue_dma source(%dma_start3A_156 : memref<8x512xi32, #tpu.memory_space<hbm>>) target(%arg7 : memref<8x512xi32, #tpu.memory_space<vmem>>) target_semaphore(%run_scoped3A : memref<!tpu.dma_semaphore, #tpu.memory_space<semaphore_mem>>)
      %dma_wait3A_157 = arith.constant 0 : i32
      %dma_wait3A_158 = tpu.memref_slice %arg2[%mul3A_34, %dma_wait3A_157] : memref<64x512xi32, #tpu.memory_space<hbm>> -> memref<8x512xi32, #tpu.memory_space<hbm>>
      %dma_wait3A_159 = arith.constant 0 : i32
      %dma_wait3A_160 = tpu.memref_slice %arg2[%mul3A_34, %dma_wait3A_159] : memref<64x512xi32, #tpu.memory_space<hbm>> -> memref<8x512xi32, #tpu.memory_space<hbm>>
      tpu.wait_dma2 semaphore(%run_scoped3A : memref<!tpu.dma_semaphore, #tpu.memory_space<semaphore_mem>>) src(%dma_wait3A_160 : memref<8x512xi32, #tpu.memory_space<hbm>>) dst(%arg7 : memref<8x512xi32, #tpu.memory_space<vmem>>)
      tpu.yield
    }) : () -> ()
    %add3A_35 = arith.constant 0 : i32
    %add3A_36 = arith.addi %select_n3A_32, %add3A_35 : i32
    %dma_start3A = arith.constant 0 : i32
    %dma_start3A_37 = tpu.memref_slice %arg7[%add3A_36, %dma_start3A] : memref<8x512xi32, #tpu.memory_space<vmem>> -> memref<1x32xi32, #tpu.memory_space<vmem>>
    %dma_start3A_38 = tpu.memref_squeeze %dma_start3A_37 : memref<1x32xi32, #tpu.memory_space<vmem>> -> memref<32xi32, #tpu.memory_space<vmem>>
    %dma_start3A_39 = arith.constant 0 : i32
    %dma_start3A_40 = arith.constant 0 : i32
    %dma_start3A_41 = tpu.memref_slice %arg3[%dma_start3A_39, %dma_start3A_40] : memref<23236x1728xf32, #tpu.memory_space<hbm>> -> memref<23236x512xf32, #tpu.memory_space<hbm>>
    tpu.enqueue_indirect_dma source(%dma_start3A_41 : memref<23236x512xf32, #tpu.memory_space<hbm>>) target(%arg8 : memref<32x512xf32, #tpu.memory_space<vmem>>) offsets(%dma_start3A_38 : memref<32xi32, #tpu.memory_space<vmem>>) semaphore(%arg18 : memref<!tpu.dma_semaphore, #tpu.memory_space<semaphore_mem>>)
    %dma_start3A_42 = arith.constant 0 : i32
    %dma_start3A_43 = tpu.memref_slice %arg7[%add3A_36, %dma_start3A_42] : memref<8x512xi32, #tpu.memory_space<vmem>> -> memref<1x32xi32, #tpu.memory_space<vmem>>
    %dma_start3A_44 = tpu.memref_squeeze %dma_start3A_43 : memref<1x32xi32, #tpu.memory_space<vmem>> -> memref<32xi32, #tpu.memory_space<vmem>>
    %dma_start3A_45 = arith.constant 0 : i32
    %dma_start3A_46 = arith.constant 512 : i32
    %dma_start3A_47 = tpu.memref_slice %arg3[%dma_start3A_45, %dma_start3A_46] : memref<23236x1728xf32, #tpu.memory_space<hbm>> -> memref<23236x512xf32, #tpu.memory_space<hbm>>
    tpu.enqueue_indirect_dma source(%dma_start3A_47 : memref<23236x512xf32, #tpu.memory_space<hbm>>) target(%arg9 : memref<32x512xf32, #tpu.memory_space<vmem>>) offsets(%dma_start3A_44 : memref<32xi32, #tpu.memory_space<vmem>>) semaphore(%arg18 : memref<!tpu.dma_semaphore, #tpu.memory_space<semaphore_mem>>)
    %dma_start3A_48 = arith.constant 0 : i32
    %dma_start3A_49 = tpu.memref_slice %arg7[%add3A_36, %dma_start3A_48] : memref<8x512xi32, #tpu.memory_space<vmem>> -> memref<1x32xi32, #tpu.memory_space<vmem>>
    %dma_start3A_50 = tpu.memref_squeeze %dma_start3A_49 : memref<1x32xi32, #tpu.memory_space<vmem>> -> memref<32xi32, #tpu.memory_space<vmem>>
    %dma_start3A_51 = arith.constant 0 : i32
    %dma_start3A_52 = arith.constant 1024 : i32
    %dma_start3A_53 = tpu.memref_slice %arg3[%dma_start3A_51, %dma_start3A_52] : memref<23236x1728xf32, #tpu.memory_space<hbm>> -> memref<23236x512xf32, #tpu.memory_space<hbm>>
    tpu.enqueue_indirect_dma source(%dma_start3A_53 : memref<23236x512xf32, #tpu.memory_space<hbm>>) target(%arg10 : memref<32x512xf32, #tpu.memory_space<vmem>>) offsets(%dma_start3A_50 : memref<32xi32, #tpu.memory_space<vmem>>) semaphore(%arg18 : memref<!tpu.dma_semaphore, #tpu.memory_space<semaphore_mem>>)
    %dma_start3A_54 = arith.constant 0 : i32
    %dma_start3A_55 = tpu.memref_slice %arg7[%add3A_36, %dma_start3A_54] : memref<8x512xi32, #tpu.memory_space<vmem>> -> memref<1x32xi32, #tpu.memory_space<vmem>>
    %dma_start3A_56 = tpu.memref_squeeze %dma_start3A_55 : memref<1x32xi32, #tpu.memory_space<vmem>> -> memref<32xi32, #tpu.memory_space<vmem>>
    %dma_start3A_57 = arith.constant 0 : i32
    %dma_start3A_58 = arith.constant 1536 : i32
    %dma_start3A_59 = tpu.memref_slice %arg3[%dma_start3A_57, %dma_start3A_58] : memref<23236x1728xf32, #tpu.memory_space<hbm>> -> memref<23236x128xf32, #tpu.memory_space<hbm>>
    tpu.enqueue_indirect_dma source(%dma_start3A_59 : memref<23236x128xf32, #tpu.memory_space<hbm>>) target(%arg11 : memref<32x128xf32, #tpu.memory_space<vmem>>) offsets(%dma_start3A_56 : memref<32xi32, #tpu.memory_space<vmem>>) semaphore(%arg18 : memref<!tpu.dma_semaphore, #tpu.memory_space<semaphore_mem>>)
    %dma_start3A_60 = arith.constant 0 : i32
    %dma_start3A_61 = tpu.memref_slice %arg7[%add3A_36, %dma_start3A_60] : memref<8x512xi32, #tpu.memory_space<vmem>> -> memref<1x32xi32, #tpu.memory_space<vmem>>
    %dma_start3A_62 = tpu.memref_squeeze %dma_start3A_61 : memref<1x32xi32, #tpu.memory_space<vmem>> -> memref<32xi32, #tpu.memory_space<vmem>>
    %dma_start3A_63 = arith.constant 0 : i32
    %dma_start3A_64 = arith.constant 0 : i32
    %dma_start3A_65 = tpu.memref_slice %arg4[%dma_start3A_63, %dma_start3A_64] : memref<23236x128xf32, #tpu.memory_space<hbm>> -> memref<23236x128xf32, #tpu.memory_space<hbm>>
    tpu.enqueue_indirect_dma source(%dma_start3A_65 : memref<23236x128xf32, #tpu.memory_space<hbm>>) target(%arg12 : memref<32x128xf32, #tpu.memory_space<vmem>>) offsets(%dma_start3A_62 : memref<32xi32, #tpu.memory_space<vmem>>) semaphore(%arg18 : memref<!tpu.dma_semaphore, #tpu.memory_space<semaphore_mem>>)
    %scan3A = arith.constant 0 : i32
    %scan3A_66 = arith.constant 16 : i32
    %scan3A_67 = arith.addi %scan3A, %scan3A_66 : i32
    %scan3A_68 = arith.constant 1 : i32
    scf.for %scan3A_153 = %scan3A to %scan3A_67 step %scan3A_68  : i32 {
      %mul3A_154 = arith.constant 2 : i32
      %mul3A_155 = arith.muli %scan3A_153, %mul3A_154 : i32
      %add3A_156 = arith.constant 0 : i32
      %add3A_157 = arith.addi %add3A_156, %mul3A_155 : i32
      %add3A_158 = arith.constant 0 : i32
      %add3A_159 = arith.addi %add3A_157, %add3A_158 : i32
      %jit3A_160 = arith.constant 16 : i32
      %div3A_161 = arith.divsi %add3A_159, %jit3A_160 : i32
      %sign3A_162 = arith.constant 0 : i32
      %sign3A_163 = arith.cmpi sgt, %add3A_159, %sign3A_162 : i32
      %sign3A_164 = arith.extui %sign3A_163 : i1 to i32
      %sign3A_165 = arith.constant 0 : i32
      %sign3A_166 = arith.cmpi slt, %add3A_159, %sign3A_165 : i32
      %sign3A_167 = arith.extui %sign3A_166 : i1 to i32
      %sign3A_168 = arith.subi %sign3A_164, %sign3A_167 : i32
      %sign3A_169 = arith.constant 0 : i32
      %sign3A_170 = arith.cmpi sgt, %jit3A_160, %sign3A_169 : i32
      %sign3A_171 = arith.extui %sign3A_170 : i1 to i32
      %sign3A_172 = arith.constant 0 : i32
      %sign3A_173 = arith.cmpi slt, %jit3A_160, %sign3A_172 : i32
      %sign3A_174 = arith.extui %sign3A_173 : i1 to i32
      %sign3A_175 = arith.subi %sign3A_171, %sign3A_174 : i32
      %ne3A_176 = arith.cmpi ne, %sign3A_168, %sign3A_175 : i32
      %rem3A_177 = arith.remsi %add3A_159, %jit3A_160 : i32
      %ne3A_178 = arith.constant 0 : i32
      %ne3A_179 = arith.cmpi ne, %rem3A_177, %ne3A_178 : i32
      %and3A_180 = arith.andi %ne3A_176, %ne3A_179 : i1
      %sub3A_181 = arith.constant 1 : i32
      %sub3A_182 = arith.subi %div3A_161, %sub3A_181 : i32
      %select_n3A_183 = arith.select %and3A_180, %sub3A_182, %div3A_161 : i32
      %add3A_184 = arith.addi %select_n3A_32, %select_n3A_183 : i32
      %jit3A_185 = arith.constant 16 : i32
      %eq3A_186 = arith.constant 0 : i32
      %eq3A_187 = arith.cmpi eq, %jit3A_185, %eq3A_186 : i32
      %jit3A_188 = arith.constant 1 : i32
      %select_n3A_189 = arith.select %eq3A_187, %jit3A_188, %jit3A_185 : i32
      %rem3A_190 = arith.remsi %add3A_159, %select_n3A_189 : i32
      %ne3A_191 = arith.constant 0 : i32
      %ne3A_192 = arith.cmpi ne, %rem3A_190, %ne3A_191 : i32
      %lt3A_193 = arith.constant 0 : i32
      %lt3A_194 = arith.cmpi slt, %rem3A_190, %lt3A_193 : i32
      %lt3A_195 = arith.constant 0 : i32
      %lt3A_196 = arith.cmpi slt, %select_n3A_189, %lt3A_195 : i32
      %ne3A_197 = arith.xori %lt3A_194, %lt3A_196 : i1
      %and3A_198 = arith.andi %ne3A_197, %ne3A_192 : i1
      %add3A_199 = arith.addi %rem3A_190, %select_n3A_189 : i32
      %select_n3A_200 = arith.select %and3A_198, %add3A_199, %rem3A_190 : i32
      %mul3A_201 = arith.constant 32 : i32
      %mul3A_202 = arith.muli %select_n3A_200, %mul3A_201 : i32
      %dma_wait3A_203 = tpu.memref_slice %arg7[%add3A_184, %mul3A_202] : memref<8x512xi32, #tpu.memory_space<vmem>> -> memref<1x32xi32, #tpu.memory_space<vmem>>
      %dma_wait3A_204 = tpu.memref_squeeze %dma_wait3A_203 : memref<1x32xi32, #tpu.memory_space<vmem>> -> memref<32xi32, #tpu.memory_space<vmem>>
      %dma_wait3A_205 = arith.constant 0 : i32
      %dma_wait3A_206 = arith.constant 0 : i32
      %dma_wait3A_207 = tpu.memref_slice %arg3[%dma_wait3A_205, %dma_wait3A_206] : memref<23236x1728xf32, #tpu.memory_space<hbm>> -> memref<23236x512xf32, #tpu.memory_space<hbm>>
      tpu.wait_indirect_dma semaphore(%arg18 : memref<!tpu.dma_semaphore, #tpu.memory_space<semaphore_mem>>) src(%dma_wait3A_207 : memref<23236x512xf32, #tpu.memory_space<hbm>>) dst(%arg8 : memref<32x512xf32, #tpu.memory_space<vmem>>)
      %dma_wait3A_208 = tpu.memref_slice %arg7[%add3A_184, %mul3A_202] : memref<8x512xi32, #tpu.memory_space<vmem>> -> memref<1x32xi32, #tpu.memory_space<vmem>>
      %dma_wait3A_209 = tpu.memref_squeeze %dma_wait3A_208 : memref<1x32xi32, #tpu.memory_space<vmem>> -> memref<32xi32, #tpu.memory_space<vmem>>
      %dma_wait3A_210 = arith.constant 0 : i32
      %dma_wait3A_211 = arith.constant 512 : i32
      %dma_wait3A_212 = tpu.memref_slice %arg3[%dma_wait3A_210, %dma_wait3A_211] : memref<23236x1728xf32, #tpu.memory_space<hbm>> -> memref<23236x512xf32, #tpu.memory_space<hbm>>
      tpu.wait_indirect_dma semaphore(%arg18 : memref<!tpu.dma_semaphore, #tpu.memory_space<semaphore_mem>>) src(%dma_wait3A_212 : memref<23236x512xf32, #tpu.memory_space<hbm>>) dst(%arg9 : memref<32x512xf32, #tpu.memory_space<vmem>>)
      %dma_wait3A_213 = tpu.memref_slice %arg7[%add3A_184, %mul3A_202] : memref<8x512xi32, #tpu.memory_space<vmem>> -> memref<1x32xi32, #tpu.memory_space<vmem>>
      %dma_wait3A_214 = tpu.memref_squeeze %dma_wait3A_213 : memref<1x32xi32, #tpu.memory_space<vmem>> -> memref<32xi32, #tpu.memory_space<vmem>>
      %dma_wait3A_215 = arith.constant 0 : i32
      %dma_wait3A_216 = arith.constant 1024 : i32
      %dma_wait3A_217 = tpu.memref_slice %arg3[%dma_wait3A_215, %dma_wait3A_216] : memref<23236x1728xf32, #tpu.memory_space<hbm>> -> memref<23236x512xf32, #tpu.memory_space<hbm>>
      tpu.wait_indirect_dma semaphore(%arg18 : memref<!tpu.dma_semaphore, #tpu.memory_space<semaphore_mem>>) src(%dma_wait3A_217 : memref<23236x512xf32, #tpu.memory_space<hbm>>) dst(%arg10 : memref<32x512xf32, #tpu.memory_space<vmem>>)
      %dma_wait3A_218 = tpu.memref_slice %arg7[%add3A_184, %mul3A_202] : memref<8x512xi32, #tpu.memory_space<vmem>> -> memref<1x32xi32, #tpu.memory_space<vmem>>
      %dma_wait3A_219 = tpu.memref_squeeze %dma_wait3A_218 : memref<1x32xi32, #tpu.memory_space<vmem>> -> memref<32xi32, #tpu.memory_space<vmem>>
      %dma_wait3A_220 = arith.constant 0 : i32
      %dma_wait3A_221 = arith.constant 1536 : i32
      %dma_wait3A_222 = tpu.memref_slice %arg3[%dma_wait3A_220, %dma_wait3A_221] : memref<23236x1728xf32, #tpu.memory_space<hbm>> -> memref<23236x128xf32, #tpu.memory_space<hbm>>
      tpu.wait_indirect_dma semaphore(%arg18 : memref<!tpu.dma_semaphore, #tpu.memory_space<semaphore_mem>>) src(%dma_wait3A_222 : memref<23236x128xf32, #tpu.memory_space<hbm>>) dst(%arg11 : memref<32x128xf32, #tpu.memory_space<vmem>>)
      %dma_wait3A_223 = tpu.memref_slice %arg7[%add3A_184, %mul3A_202] : memref<8x512xi32, #tpu.memory_space<vmem>> -> memref<1x32xi32, #tpu.memory_space<vmem>>
      %dma_wait3A_224 = tpu.memref_squeeze %dma_wait3A_223 : memref<1x32xi32, #tpu.memory_space<vmem>> -> memref<32xi32, #tpu.memory_space<vmem>>
      %dma_wait3A_225 = arith.constant 0 : i32
      %dma_wait3A_226 = arith.constant 0 : i32
      %dma_wait3A_227 = tpu.memref_slice %arg4[%dma_wait3A_225, %dma_wait3A_226] : memref<23236x128xf32, #tpu.memory_space<hbm>> -> memref<23236x128xf32, #tpu.memory_space<hbm>>
      tpu.wait_indirect_dma semaphore(%arg18 : memref<!tpu.dma_semaphore, #tpu.memory_space<semaphore_mem>>) src(%dma_wait3A_227 : memref<23236x128xf32, #tpu.memory_space<hbm>>) dst(%arg12 : memref<32x128xf32, #tpu.memory_space<vmem>>)
      %add3A_228 = arith.constant 1 : i32
      %add3A_229 = arith.addi %add3A_159, %add3A_228 : i32
      %lt3A_230 = arith.constant 32 : i32
      %lt3A_231 = arith.cmpi slt, %add3A_229, %lt3A_230 : i32
      %convert_element_type3A = arith.extui %lt3A_231 : i1 to i32
      %cond3A = arith.constant 0 : i32
      %cond3A_232 = arith.cmpi ne, %convert_element_type3A, %cond3A : i32
      scf.if %cond3A_232 {
        %add3A_456 = arith.constant 1 : i32
        %add3A_457 = arith.addi %add3A_159, %add3A_456 : i32
        %ge3A = arith.constant 2 : i32
        %ge3A_458 = arith.cmpi sge, %add3A_457, %ge3A : i32
        %convert_element_type3A_459 = arith.extui %ge3A_458 : i1 to i32
        %cond3A_460 = arith.constant 0 : i32
        %cond3A_461 = arith.cmpi ne, %convert_element_type3A_459, %cond3A_460 : i32
        scf.if %cond3A_461 {
          %add3A_532 = arith.constant 1 : i32
          %add3A_533 = arith.addi %add3A_159, %add3A_532 : i32
          %sub3A_534 = arith.constant 2 : i32
          %sub3A_535 = arith.subi %add3A_533, %sub3A_534 : i32
          %jit3A_536 = arith.constant 16 : i32
          %div3A_537 = arith.divsi %sub3A_535, %jit3A_536 : i32
          %sign3A_538 = arith.constant 0 : i32
          %sign3A_539 = arith.cmpi sgt, %sub3A_535, %sign3A_538 : i32
          %sign3A_540 = arith.extui %sign3A_539 : i1 to i32
          %sign3A_541 = arith.constant 0 : i32
          %sign3A_542 = arith.cmpi slt, %sub3A_535, %sign3A_541 : i32
          %sign3A_543 = arith.extui %sign3A_542 : i1 to i32
          %sign3A_544 = arith.subi %sign3A_540, %sign3A_543 : i32
          %sign3A_545 = arith.constant 0 : i32
          %sign3A_546 = arith.cmpi sgt, %jit3A_536, %sign3A_545 : i32
          %sign3A_547 = arith.extui %sign3A_546 : i1 to i32
          %sign3A_548 = arith.constant 0 : i32
          %sign3A_549 = arith.cmpi slt, %jit3A_536, %sign3A_548 : i32
          %sign3A_550 = arith.extui %sign3A_549 : i1 to i32
          %sign3A_551 = arith.subi %sign3A_547, %sign3A_550 : i32
          %ne3A_552 = arith.cmpi ne, %sign3A_544, %sign3A_551 : i32
          %rem3A_553 = arith.remsi %sub3A_535, %jit3A_536 : i32
          %ne3A_554 = arith.constant 0 : i32
          %ne3A_555 = arith.cmpi ne, %rem3A_553, %ne3A_554 : i32
          %and3A_556 = arith.andi %ne3A_552, %ne3A_555 : i1
          %sub3A_557 = arith.constant 1 : i32
          %sub3A_558 = arith.subi %div3A_537, %sub3A_557 : i32
          %select_n3A_559 = arith.select %and3A_556, %sub3A_558, %div3A_537 : i32
          %add3A_560 = arith.addi %mul3A_2, %select_n3A_559 : i32
          %jit3A_561 = arith.constant 16 : i32
          %eq3A_562 = arith.constant 0 : i32
          %eq3A_563 = arith.cmpi eq, %jit3A_561, %eq3A_562 : i32
          %jit3A_564 = arith.constant 1 : i32
          %select_n3A_565 = arith.select %eq3A_563, %jit3A_564, %jit3A_561 : i32
          %rem3A_566 = arith.remsi %sub3A_535, %select_n3A_565 : i32
          %ne3A_567 = arith.constant 0 : i32
          %ne3A_568 = arith.cmpi ne, %rem3A_566, %ne3A_567 : i32
          %lt3A_569 = arith.constant 0 : i32
          %lt3A_570 = arith.cmpi slt, %rem3A_566, %lt3A_569 : i32
          %lt3A_571 = arith.constant 0 : i32
          %lt3A_572 = arith.cmpi slt, %select_n3A_565, %lt3A_571 : i32
          %ne3A_573 = arith.xori %lt3A_570, %lt3A_572 : i1
          %and3A_574 = arith.andi %ne3A_573, %ne3A_568 : i1
          %add3A_575 = arith.addi %rem3A_566, %select_n3A_565 : i32
          %select_n3A_576 = arith.select %and3A_574, %add3A_575, %rem3A_566 : i32
          %mul3A_577 = arith.constant 32 : i32
          %mul3A_578 = arith.muli %select_n3A_576, %mul3A_577 : i32
          %dma_wait3A_579 = arith.constant 0 : i32
          %dma_wait3A_580 = tpu.memref_slice %arg5[%add3A_560, %mul3A_578, %dma_wait3A_579] : memref<64x512x1728xf32, #tpu.memory_space<hbm>> -> memref<1x32x512xf32, #tpu.memory_space<hbm>>
          %dma_wait3A_581 = tpu.memref_squeeze %dma_wait3A_580 : memref<1x32x512xf32, #tpu.memory_space<hbm>> -> memref<32x512xf32, #tpu.memory_space<hbm>>
          %dma_wait3A_582 = arith.constant 0 : i32
          %dma_wait3A_583 = tpu.memref_slice %arg5[%add3A_560, %mul3A_578, %dma_wait3A_582] : memref<64x512x1728xf32, #tpu.memory_space<hbm>> -> memref<1x32x512xf32, #tpu.memory_space<hbm>>
          %dma_wait3A_584 = tpu.memref_squeeze %dma_wait3A_583 : memref<1x32x512xf32, #tpu.memory_space<hbm>> -> memref<32x512xf32, #tpu.memory_space<hbm>>
          tpu.wait_dma2 semaphore(%arg21 : memref<!tpu.dma_semaphore, #tpu.memory_space<semaphore_mem>>) src(%arg13 : memref<32x512xf32, #tpu.memory_space<vmem>>) dst(%dma_wait3A_584 : memref<32x512xf32, #tpu.memory_space<hbm>>)
          %dma_wait3A_585 = arith.constant 512 : i32
          %dma_wait3A_586 = tpu.memref_slice %arg5[%add3A_560, %mul3A_578, %dma_wait3A_585] : memref<64x512x1728xf32, #tpu.memory_space<hbm>> -> memref<1x32x512xf32, #tpu.memory_space<hbm>>
          %dma_wait3A_587 = tpu.memref_squeeze %dma_wait3A_586 : memref<1x32x512xf32, #tpu.memory_space<hbm>> -> memref<32x512xf32, #tpu.memory_space<hbm>>
          %dma_wait3A_588 = arith.constant 512 : i32
          %dma_wait3A_589 = tpu.memref_slice %arg5[%add3A_560, %mul3A_578, %dma_wait3A_588] : memref<64x512x1728xf32, #tpu.memory_space<hbm>> -> memref<1x32x512xf32, #tpu.memory_space<hbm>>
          %dma_wait3A_590 = tpu.memref_squeeze %dma_wait3A_589 : memref<1x32x512xf32, #tpu.memory_space<hbm>> -> memref<32x512xf32, #tpu.memory_space<hbm>>
          tpu.wait_dma2 semaphore(%arg21 : memref<!tpu.dma_semaphore, #tpu.memory_space<semaphore_mem>>) src(%arg14 : memref<32x512xf32, #tpu.memory_space<vmem>>) dst(%dma_wait3A_590 : memref<32x512xf32, #tpu.memory_space<hbm>>)
          %dma_wait3A_591 = arith.constant 1024 : i32
          %dma_wait3A_592 = tpu.memref_slice %arg5[%add3A_560, %mul3A_578, %dma_wait3A_591] : memref<64x512x1728xf32, #tpu.memory_space<hbm>> -> memref<1x32x512xf32, #tpu.memory_space<hbm>>
          %dma_wait3A_593 = tpu.memref_squeeze %dma_wait3A_592 : memref<1x32x512xf32, #tpu.memory_space<hbm>> -> memref<32x512xf32, #tpu.memory_space<hbm>>
          %dma_wait3A_594 = arith.constant 1024 : i32
          %dma_wait3A_595 = tpu.memref_slice %arg5[%add3A_560, %mul3A_578, %dma_wait3A_594] : memref<64x512x1728xf32, #tpu.memory_space<hbm>> -> memref<1x32x512xf32, #tpu.memory_space<hbm>>
          %dma_wait3A_596 = tpu.memref_squeeze %dma_wait3A_595 : memref<1x32x512xf32, #tpu.memory_space<hbm>> -> memref<32x512xf32, #tpu.memory_space<hbm>>
          tpu.wait_dma2 semaphore(%arg21 : memref<!tpu.dma_semaphore, #tpu.memory_space<semaphore_mem>>) src(%arg15 : memref<32x512xf32, #tpu.memory_space<vmem>>) dst(%dma_wait3A_596 : memref<32x512xf32, #tpu.memory_space<hbm>>)
          %dma_wait3A_597 = arith.constant 1536 : i32
          %dma_wait3A_598 = tpu.memref_slice %arg5[%add3A_560, %mul3A_578, %dma_wait3A_597] : memref<64x512x1728xf32, #tpu.memory_space<hbm>> -> memref<1x32x128xf32, #tpu.memory_space<hbm>>
          %dma_wait3A_599 = tpu.memref_squeeze %dma_wait3A_598 : memref<1x32x128xf32, #tpu.memory_space<hbm>> -> memref<32x128xf32, #tpu.memory_space<hbm>>
          %dma_wait3A_600 = arith.constant 1536 : i32
          %dma_wait3A_601 = tpu.memref_slice %arg5[%add3A_560, %mul3A_578, %dma_wait3A_600] : memref<64x512x1728xf32, #tpu.memory_space<hbm>> -> memref<1x32x128xf32, #tpu.memory_space<hbm>>
          %dma_wait3A_602 = tpu.memref_squeeze %dma_wait3A_601 : memref<1x32x128xf32, #tpu.memory_space<hbm>> -> memref<32x128xf32, #tpu.memory_space<hbm>>
          tpu.wait_dma2 semaphore(%arg21 : memref<!tpu.dma_semaphore, #tpu.memory_space<semaphore_mem>>) src(%arg16 : memref<32x128xf32, #tpu.memory_space<vmem>>) dst(%dma_wait3A_602 : memref<32x128xf32, #tpu.memory_space<hbm>>)
          %dma_wait3A_603 = arith.constant 0 : i32
          %dma_wait3A_604 = tpu.memref_slice %arg6[%add3A_560, %mul3A_578, %dma_wait3A_603] : memref<64x512x128xf32, #tpu.memory_space<hbm>> -> memref<1x32x128xf32, #tpu.memory_space<hbm>>
          %dma_wait3A_605 = tpu.memref_squeeze %dma_wait3A_604 : memref<1x32x128xf32, #tpu.memory_space<hbm>> -> memref<32x128xf32, #tpu.memory_space<hbm>>
          %dma_wait3A_606 = arith.constant 0 : i32
          %dma_wait3A_607 = tpu.memref_slice %arg6[%add3A_560, %mul3A_578, %dma_wait3A_606] : memref<64x512x128xf32, #tpu.memory_space<hbm>> -> memref<1x32x128xf32, #tpu.memory_space<hbm>>
          %dma_wait3A_608 = tpu.memref_squeeze %dma_wait3A_607 : memref<1x32x128xf32, #tpu.memory_space<hbm>> -> memref<32x128xf32, #tpu.memory_space<hbm>>
          tpu.wait_dma2 semaphore(%arg21 : memref<!tpu.dma_semaphore, #tpu.memory_space<semaphore_mem>>) src(%arg17 : memref<32x128xf32, #tpu.memory_space<vmem>>) dst(%dma_wait3A_608 : memref<32x128xf32, #tpu.memory_space<hbm>>)
        } else {
        }
        %add3A_462 = arith.constant 1 : i32
        %add3A_463 = arith.addi %add3A_159, %add3A_462 : i32
        %jit3A_464 = arith.constant 16 : i32
        %div3A_465 = arith.divsi %add3A_463, %jit3A_464 : i32
        %sign3A_466 = arith.constant 0 : i32
        %sign3A_467 = arith.cmpi sgt, %add3A_463, %sign3A_466 : i32
        %sign3A_468 = arith.extui %sign3A_467 : i1 to i32
        %sign3A_469 = arith.constant 0 : i32
        %sign3A_470 = arith.cmpi slt, %add3A_463, %sign3A_469 : i32
        %sign3A_471 = arith.extui %sign3A_470 : i1 to i32
        %sign3A_472 = arith.subi %sign3A_468, %sign3A_471 : i32
        %sign3A_473 = arith.constant 0 : i32
        %sign3A_474 = arith.cmpi sgt, %jit3A_464, %sign3A_473 : i32
        %sign3A_475 = arith.extui %sign3A_474 : i1 to i32
        %sign3A_476 = arith.constant 0 : i32
        %sign3A_477 = arith.cmpi slt, %jit3A_464, %sign3A_476 : i32
        %sign3A_478 = arith.extui %sign3A_477 : i1 to i32
        %sign3A_479 = arith.subi %sign3A_475, %sign3A_478 : i32
        %ne3A_480 = arith.cmpi ne, %sign3A_472, %sign3A_479 : i32
        %rem3A_481 = arith.remsi %add3A_463, %jit3A_464 : i32
        %ne3A_482 = arith.constant 0 : i32
        %ne3A_483 = arith.cmpi ne, %rem3A_481, %ne3A_482 : i32
        %and3A_484 = arith.andi %ne3A_480, %ne3A_483 : i1
        %sub3A_485 = arith.constant 1 : i32
        %sub3A_486 = arith.subi %div3A_465, %sub3A_485 : i32
        %select_n3A_487 = arith.select %and3A_484, %sub3A_486, %div3A_465 : i32
        %add3A_488 = arith.addi %select_n3A_32, %select_n3A_487 : i32
        %jit3A_489 = arith.constant 16 : i32
        %eq3A_490 = arith.constant 0 : i32
        %eq3A_491 = arith.cmpi eq, %jit3A_489, %eq3A_490 : i32
        %jit3A_492 = arith.constant 1 : i32
        %select_n3A_493 = arith.select %eq3A_491, %jit3A_492, %jit3A_489 : i32
        %rem3A_494 = arith.remsi %add3A_463, %select_n3A_493 : i32
        %ne3A_495 = arith.constant 0 : i32
        %ne3A_496 = arith.cmpi ne, %rem3A_494, %ne3A_495 : i32
        %lt3A_497 = arith.constant 0 : i32
        %lt3A_498 = arith.cmpi slt, %rem3A_494, %lt3A_497 : i32
        %lt3A_499 = arith.constant 0 : i32
        %lt3A_500 = arith.cmpi slt, %select_n3A_493, %lt3A_499 : i32
        %ne3A_501 = arith.xori %lt3A_498, %lt3A_500 : i1
        %and3A_502 = arith.andi %ne3A_501, %ne3A_496 : i1
        %add3A_503 = arith.addi %rem3A_494, %select_n3A_493 : i32
        %select_n3A_504 = arith.select %and3A_502, %add3A_503, %rem3A_494 : i32
        %mul3A_505 = arith.constant 32 : i32
        %mul3A_506 = arith.muli %select_n3A_504, %mul3A_505 : i32
        %dma_start3A_507 = tpu.memref_slice %arg7[%add3A_488, %mul3A_506] : memref<8x512xi32, #tpu.memory_space<vmem>> -> memref<1x32xi32, #tpu.memory_space<vmem>>
        %dma_start3A_508 = tpu.memref_squeeze %dma_start3A_507 : memref<1x32xi32, #tpu.memory_space<vmem>> -> memref<32xi32, #tpu.memory_space<vmem>>
        %dma_start3A_509 = arith.constant 0 : i32
        %dma_start3A_510 = arith.constant 0 : i32
        %dma_start3A_511 = tpu.memref_slice %arg3[%dma_start3A_509, %dma_start3A_510] : memref<23236x1728xf32, #tpu.memory_space<hbm>> -> memref<23236x512xf32, #tpu.memory_space<hbm>>
        tpu.enqueue_indirect_dma source(%dma_start3A_511 : memref<23236x512xf32, #tpu.memory_space<hbm>>) target(%arg13 : memref<32x512xf32, #tpu.memory_space<vmem>>) offsets(%dma_start3A_508 : memref<32xi32, #tpu.memory_space<vmem>>) semaphore(%arg19 : memref<!tpu.dma_semaphore, #tpu.memory_space<semaphore_mem>>)
        %dma_start3A_512 = tpu.memref_slice %arg7[%add3A_488, %mul3A_506] : memref<8x512xi32, #tpu.memory_space<vmem>> -> memref<1x32xi32, #tpu.memory_space<vmem>>
        %dma_start3A_513 = tpu.memref_squeeze %dma_start3A_512 : memref<1x32xi32, #tpu.memory_space<vmem>> -> memref<32xi32, #tpu.memory_space<vmem>>
        %dma_start3A_514 = arith.constant 0 : i32
        %dma_start3A_515 = arith.constant 512 : i32
        %dma_start3A_516 = tpu.memref_slice %arg3[%dma_start3A_514, %dma_start3A_515] : memref<23236x1728xf32, #tpu.memory_space<hbm>> -> memref<23236x512xf32, #tpu.memory_space<hbm>>
        tpu.enqueue_indirect_dma source(%dma_start3A_516 : memref<23236x512xf32, #tpu.memory_space<hbm>>) target(%arg14 : memref<32x512xf32, #tpu.memory_space<vmem>>) offsets(%dma_start3A_513 : memref<32xi32, #tpu.memory_space<vmem>>) semaphore(%arg19 : memref<!tpu.dma_semaphore, #tpu.memory_space<semaphore_mem>>)
        %dma_start3A_517 = tpu.memref_slice %arg7[%add3A_488, %mul3A_506] : memref<8x512xi32, #tpu.memory_space<vmem>> -> memref<1x32xi32, #tpu.memory_space<vmem>>
        %dma_start3A_518 = tpu.memref_squeeze %dma_start3A_517 : memref<1x32xi32, #tpu.memory_space<vmem>> -> memref<32xi32, #tpu.memory_space<vmem>>
        %dma_start3A_519 = arith.constant 0 : i32
        %dma_start3A_520 = arith.constant 1024 : i32
        %dma_start3A_521 = tpu.memref_slice %arg3[%dma_start3A_519, %dma_start3A_520] : memref<23236x1728xf32, #tpu.memory_space<hbm>> -> memref<23236x512xf32, #tpu.memory_space<hbm>>
        tpu.enqueue_indirect_dma source(%dma_start3A_521 : memref<23236x512xf32, #tpu.memory_space<hbm>>) target(%arg15 : memref<32x512xf32, #tpu.memory_space<vmem>>) offsets(%dma_start3A_518 : memref<32xi32, #tpu.memory_space<vmem>>) semaphore(%arg19 : memref<!tpu.dma_semaphore, #tpu.memory_space<semaphore_mem>>)
        %dma_start3A_522 = tpu.memref_slice %arg7[%add3A_488, %mul3A_506] : memref<8x512xi32, #tpu.memory_space<vmem>> -> memref<1x32xi32, #tpu.memory_space<vmem>>
        %dma_start3A_523 = tpu.memref_squeeze %dma_start3A_522 : memref<1x32xi32, #tpu.memory_space<vmem>> -> memref<32xi32, #tpu.memory_space<vmem>>
        %dma_start3A_524 = arith.constant 0 : i32
        %dma_start3A_525 = arith.constant 1536 : i32
        %dma_start3A_526 = tpu.memref_slice %arg3[%dma_start3A_524, %dma_start3A_525] : memref<23236x1728xf32, #tpu.memory_space<hbm>> -> memref<23236x128xf32, #tpu.memory_space<hbm>>
        tpu.enqueue_indirect_dma source(%dma_start3A_526 : memref<23236x128xf32, #tpu.memory_space<hbm>>) target(%arg16 : memref<32x128xf32, #tpu.memory_space<vmem>>) offsets(%dma_start3A_523 : memref<32xi32, #tpu.memory_space<vmem>>) semaphore(%arg19 : memref<!tpu.dma_semaphore, #tpu.memory_space<semaphore_mem>>)
        %dma_start3A_527 = tpu.memref_slice %arg7[%add3A_488, %mul3A_506] : memref<8x512xi32, #tpu.memory_space<vmem>> -> memref<1x32xi32, #tpu.memory_space<vmem>>
        %dma_start3A_528 = tpu.memref_squeeze %dma_start3A_527 : memref<1x32xi32, #tpu.memory_space<vmem>> -> memref<32xi32, #tpu.memory_space<vmem>>
        %dma_start3A_529 = arith.constant 0 : i32
        %dma_start3A_530 = arith.constant 0 : i32
        %dma_start3A_531 = tpu.memref_slice %arg4[%dma_start3A_529, %dma_start3A_530] : memref<23236x128xf32, #tpu.memory_space<hbm>> -> memref<23236x128xf32, #tpu.memory_space<hbm>>
        tpu.enqueue_indirect_dma source(%dma_start3A_531 : memref<23236x128xf32, #tpu.memory_space<hbm>>) target(%arg17 : memref<32x128xf32, #tpu.memory_space<vmem>>) offsets(%dma_start3A_528 : memref<32xi32, #tpu.memory_space<vmem>>) semaphore(%arg19 : memref<!tpu.dma_semaphore, #tpu.memory_space<semaphore_mem>>)
      } else {
      }
      %jit3A_233 = arith.constant 16 : i32
      %div3A_234 = arith.divsi %add3A_159, %jit3A_233 : i32
      %sign3A_235 = arith.constant 0 : i32
      %sign3A_236 = arith.cmpi sgt, %add3A_159, %sign3A_235 : i32
      %sign3A_237 = arith.extui %sign3A_236 : i1 to i32
      %sign3A_238 = arith.constant 0 : i32
      %sign3A_239 = arith.cmpi slt, %add3A_159, %sign3A_238 : i32
      %sign3A_240 = arith.extui %sign3A_239 : i1 to i32
      %sign3A_241 = arith.subi %sign3A_237, %sign3A_240 : i32
      %sign3A_242 = arith.constant 0 : i32
      %sign3A_243 = arith.cmpi sgt, %jit3A_233, %sign3A_242 : i32
      %sign3A_244 = arith.extui %sign3A_243 : i1 to i32
      %sign3A_245 = arith.constant 0 : i32
      %sign3A_246 = arith.cmpi slt, %jit3A_233, %sign3A_245 : i32
      %sign3A_247 = arith.extui %sign3A_246 : i1 to i32
      %sign3A_248 = arith.subi %sign3A_244, %sign3A_247 : i32
      %ne3A_249 = arith.cmpi ne, %sign3A_241, %sign3A_248 : i32
      %rem3A_250 = arith.remsi %add3A_159, %jit3A_233 : i32
      %ne3A_251 = arith.constant 0 : i32
      %ne3A_252 = arith.cmpi ne, %rem3A_250, %ne3A_251 : i32
      %and3A_253 = arith.andi %ne3A_249, %ne3A_252 : i1
      %sub3A_254 = arith.constant 1 : i32
      %sub3A_255 = arith.subi %div3A_234, %sub3A_254 : i32
      %select_n3A_256 = arith.select %and3A_253, %sub3A_255, %div3A_234 : i32
      %add3A_257 = arith.addi %mul3A_2, %select_n3A_256 : i32
      %jit3A_258 = arith.constant 16 : i32
      %eq3A_259 = arith.constant 0 : i32
      %eq3A_260 = arith.cmpi eq, %jit3A_258, %eq3A_259 : i32
      %jit3A_261 = arith.constant 1 : i32
      %select_n3A_262 = arith.select %eq3A_260, %jit3A_261, %jit3A_258 : i32
      %rem3A_263 = arith.remsi %add3A_159, %select_n3A_262 : i32
      %ne3A_264 = arith.constant 0 : i32
      %ne3A_265 = arith.cmpi ne, %rem3A_263, %ne3A_264 : i32
      %lt3A_266 = arith.constant 0 : i32
      %lt3A_267 = arith.cmpi slt, %rem3A_263, %lt3A_266 : i32
      %lt3A_268 = arith.constant 0 : i32
      %lt3A_269 = arith.cmpi slt, %select_n3A_262, %lt3A_268 : i32
      %ne3A_270 = arith.xori %lt3A_267, %lt3A_269 : i1
      %and3A_271 = arith.andi %ne3A_270, %ne3A_265 : i1
      %add3A_272 = arith.addi %rem3A_263, %select_n3A_262 : i32
      %select_n3A_273 = arith.select %and3A_271, %add3A_272, %rem3A_263 : i32
      %mul3A_274 = arith.constant 32 : i32
      %mul3A_275 = arith.muli %select_n3A_273, %mul3A_274 : i32
      %dma_start3A_276 = arith.constant 0 : i32
      %dma_start3A_277 = tpu.memref_slice %arg5[%add3A_257, %mul3A_275, %dma_start3A_276] : memref<64x512x1728xf32, #tpu.memory_space<hbm>> -> memref<1x32x512xf32, #tpu.memory_space<hbm>>
      %dma_start3A_278 = tpu.memref_squeeze %dma_start3A_277 : memref<1x32x512xf32, #tpu.memory_space<hbm>> -> memref<32x512xf32, #tpu.memory_space<hbm>>
      %dma_start3A_279 = arith.constant 0 : i32
      %dma_start3A_280 = tpu.memref_slice %arg5[%add3A_257, %mul3A_275, %dma_start3A_279] : memref<64x512x1728xf32, #tpu.memory_space<hbm>> -> memref<1x32x512xf32, #tpu.memory_space<hbm>>
      %dma_start3A_281 = tpu.memref_squeeze %dma_start3A_280 : memref<1x32x512xf32, #tpu.memory_space<hbm>> -> memref<32x512xf32, #tpu.memory_space<hbm>>
      tpu.enqueue_dma source(%arg8 : memref<32x512xf32, #tpu.memory_space<vmem>>) target(%dma_start3A_281 : memref<32x512xf32, #tpu.memory_space<hbm>>) target_semaphore(%arg20 : memref<!tpu.dma_semaphore, #tpu.memory_space<semaphore_mem>>)
      %dma_start3A_282 = arith.constant 512 : i32
      %dma_start3A_283 = tpu.memref_slice %arg5[%add3A_257, %mul3A_275, %dma_start3A_282] : memref<64x512x1728xf32, #tpu.memory_space<hbm>> -> memref<1x32x512xf32, #tpu.memory_space<hbm>>
      %dma_start3A_284 = tpu.memref_squeeze %dma_start3A_283 : memref<1x32x512xf32, #tpu.memory_space<hbm>> -> memref<32x512xf32, #tpu.memory_space<hbm>>
      %dma_start3A_285 = arith.constant 512 : i32
      %dma_start3A_286 = tpu.memref_slice %arg5[%add3A_257, %mul3A_275, %dma_start3A_285] : memref<64x512x1728xf32, #tpu.memory_space<hbm>> -> memref<1x32x512xf32, #tpu.memory_space<hbm>>
      %dma_start3A_287 = tpu.memref_squeeze %dma_start3A_286 : memref<1x32x512xf32, #tpu.memory_space<hbm>> -> memref<32x512xf32, #tpu.memory_space<hbm>>
      tpu.enqueue_dma source(%arg9 : memref<32x512xf32, #tpu.memory_space<vmem>>) target(%dma_start3A_287 : memref<32x512xf32, #tpu.memory_space<hbm>>) target_semaphore(%arg20 : memref<!tpu.dma_semaphore, #tpu.memory_space<semaphore_mem>>)
      %dma_start3A_288 = arith.constant 1024 : i32
      %dma_start3A_289 = tpu.memref_slice %arg5[%add3A_257, %mul3A_275, %dma_start3A_288] : memref<64x512x1728xf32, #tpu.memory_space<hbm>> -> memref<1x32x512xf32, #tpu.memory_space<hbm>>
      %dma_start3A_290 = tpu.memref_squeeze %dma_start3A_289 : memref<1x32x512xf32, #tpu.memory_space<hbm>> -> memref<32x512xf32, #tpu.memory_space<hbm>>
      %dma_start3A_291 = arith.constant 1024 : i32
      %dma_start3A_292 = tpu.memref_slice %arg5[%add3A_257, %mul3A_275, %dma_start3A_291] : memref<64x512x1728xf32, #tpu.memory_space<hbm>> -> memref<1x32x512xf32, #tpu.memory_space<hbm>>
      %dma_start3A_293 = tpu.memref_squeeze %dma_start3A_292 : memref<1x32x512xf32, #tpu.memory_space<hbm>> -> memref<32x512xf32, #tpu.memory_space<hbm>>
      tpu.enqueue_dma source(%arg10 : memref<32x512xf32, #tpu.memory_space<vmem>>) target(%dma_start3A_293 : memref<32x512xf32, #tpu.memory_space<hbm>>) target_semaphore(%arg20 : memref<!tpu.dma_semaphore, #tpu.memory_space<semaphore_mem>>)
      %dma_start3A_294 = arith.constant 1536 : i32
      %dma_start3A_295 = tpu.memref_slice %arg5[%add3A_257, %mul3A_275, %dma_start3A_294] : memref<64x512x1728xf32, #tpu.memory_space<hbm>> -> memref<1x32x128xf32, #tpu.memory_space<hbm>>
      %dma_start3A_296 = tpu.memref_squeeze %dma_start3A_295 : memref<1x32x128xf32, #tpu.memory_space<hbm>> -> memref<32x128xf32, #tpu.memory_space<hbm>>
      %dma_start3A_297 = arith.constant 1536 : i32
      %dma_start3A_298 = tpu.memref_slice %arg5[%add3A_257, %mul3A_275, %dma_start3A_297] : memref<64x512x1728xf32, #tpu.memory_space<hbm>> -> memref<1x32x128xf32, #tpu.memory_space<hbm>>
      %dma_start3A_299 = tpu.memref_squeeze %dma_start3A_298 : memref<1x32x128xf32, #tpu.memory_space<hbm>> -> memref<32x128xf32, #tpu.memory_space<hbm>>
      tpu.enqueue_dma source(%arg11 : memref<32x128xf32, #tpu.memory_space<vmem>>) target(%dma_start3A_299 : memref<32x128xf32, #tpu.memory_space<hbm>>) target_semaphore(%arg20 : memref<!tpu.dma_semaphore, #tpu.memory_space<semaphore_mem>>)
      %dma_start3A_300 = arith.constant 0 : i32
      %dma_start3A_301 = tpu.memref_slice %arg6[%add3A_257, %mul3A_275, %dma_start3A_300] : memref<64x512x128xf32, #tpu.memory_space<hbm>> -> memref<1x32x128xf32, #tpu.memory_space<hbm>>
      %dma_start3A_302 = tpu.memref_squeeze %dma_start3A_301 : memref<1x32x128xf32, #tpu.memory_space<hbm>> -> memref<32x128xf32, #tpu.memory_space<hbm>>
      %dma_start3A_303 = arith.constant 0 : i32
      %dma_start3A_304 = tpu.memref_slice %arg6[%add3A_257, %mul3A_275, %dma_start3A_303] : memref<64x512x128xf32, #tpu.memory_space<hbm>> -> memref<1x32x128xf32, #tpu.memory_space<hbm>>
      %dma_start3A_305 = tpu.memref_squeeze %dma_start3A_304 : memref<1x32x128xf32, #tpu.memory_space<hbm>> -> memref<32x128xf32, #tpu.memory_space<hbm>>
      tpu.enqueue_dma source(%arg12 : memref<32x128xf32, #tpu.memory_space<vmem>>) target(%dma_start3A_305 : memref<32x128xf32, #tpu.memory_space<hbm>>) target_semaphore(%arg20 : memref<!tpu.dma_semaphore, #tpu.memory_space<semaphore_mem>>)
      %add3A_306 = arith.constant 1 : i32
      %add3A_307 = arith.addi %add3A_157, %add3A_306 : i32
      %jit3A_308 = arith.constant 16 : i32
      %div3A_309 = arith.divsi %add3A_307, %jit3A_308 : i32
      %sign3A_310 = arith.constant 0 : i32
      %sign3A_311 = arith.cmpi sgt, %add3A_307, %sign3A_310 : i32
      %sign3A_312 = arith.extui %sign3A_311 : i1 to i32
      %sign3A_313 = arith.constant 0 : i32
      %sign3A_314 = arith.cmpi slt, %add3A_307, %sign3A_313 : i32
      %sign3A_315 = arith.extui %sign3A_314 : i1 to i32
      %sign3A_316 = arith.subi %sign3A_312, %sign3A_315 : i32
      %sign3A_317 = arith.constant 0 : i32
      %sign3A_318 = arith.cmpi sgt, %jit3A_308, %sign3A_317 : i32
      %sign3A_319 = arith.extui %sign3A_318 : i1 to i32
      %sign3A_320 = arith.constant 0 : i32
      %sign3A_321 = arith.cmpi slt, %jit3A_308, %sign3A_320 : i32
      %sign3A_322 = arith.extui %sign3A_321 : i1 to i32
      %sign3A_323 = arith.subi %sign3A_319, %sign3A_322 : i32
      %ne3A_324 = arith.cmpi ne, %sign3A_316, %sign3A_323 : i32
      %rem3A_325 = arith.remsi %add3A_307, %jit3A_308 : i32
      %ne3A_326 = arith.constant 0 : i32
      %ne3A_327 = arith.cmpi ne, %rem3A_325, %ne3A_326 : i32
      %and3A_328 = arith.andi %ne3A_324, %ne3A_327 : i1
      %sub3A_329 = arith.constant 1 : i32
      %sub3A_330 = arith.subi %div3A_309, %sub3A_329 : i32
      %select_n3A_331 = arith.select %and3A_328, %sub3A_330, %div3A_309 : i32
      %add3A_332 = arith.addi %select_n3A_32, %select_n3A_331 : i32
      %jit3A_333 = arith.constant 16 : i32
      %eq3A_334 = arith.constant 0 : i32
      %eq3A_335 = arith.cmpi eq, %jit3A_333, %eq3A_334 : i32
      %jit3A_336 = arith.constant 1 : i32
      %select_n3A_337 = arith.select %eq3A_335, %jit3A_336, %jit3A_333 : i32
      %rem3A_338 = arith.remsi %add3A_307, %select_n3A_337 : i32
      %ne3A_339 = arith.constant 0 : i32
      %ne3A_340 = arith.cmpi ne, %rem3A_338, %ne3A_339 : i32
      %lt3A_341 = arith.constant 0 : i32
      %lt3A_342 = arith.cmpi slt, %rem3A_338, %lt3A_341 : i32
      %lt3A_343 = arith.constant 0 : i32
      %lt3A_344 = arith.cmpi slt, %select_n3A_337, %lt3A_343 : i32
      %ne3A_345 = arith.xori %lt3A_342, %lt3A_344 : i1
      %and3A_346 = arith.andi %ne3A_345, %ne3A_340 : i1
      %add3A_347 = arith.addi %rem3A_338, %select_n3A_337 : i32
      %select_n3A_348 = arith.select %and3A_346, %add3A_347, %rem3A_338 : i32
      %mul3A_349 = arith.constant 32 : i32
      %mul3A_350 = arith.muli %select_n3A_348, %mul3A_349 : i32
      %dma_wait3A_351 = tpu.memref_slice %arg7[%add3A_332, %mul3A_350] : memref<8x512xi32, #tpu.memory_space<vmem>> -> memref<1x32xi32, #tpu.memory_space<vmem>>
      %dma_wait3A_352 = tpu.memref_squeeze %dma_wait3A_351 : memref<1x32xi32, #tpu.memory_space<vmem>> -> memref<32xi32, #tpu.memory_space<vmem>>
      %dma_wait3A_353 = arith.constant 0 : i32
      %dma_wait3A_354 = arith.constant 0 : i32
      %dma_wait3A_355 = tpu.memref_slice %arg3[%dma_wait3A_353, %dma_wait3A_354] : memref<23236x1728xf32, #tpu.memory_space<hbm>> -> memref<23236x512xf32, #tpu.memory_space<hbm>>
      tpu.wait_indirect_dma semaphore(%arg19 : memref<!tpu.dma_semaphore, #tpu.memory_space<semaphore_mem>>) src(%dma_wait3A_355 : memref<23236x512xf32, #tpu.memory_space<hbm>>) dst(%arg13 : memref<32x512xf32, #tpu.memory_space<vmem>>)
      %dma_wait3A_356 = tpu.memref_slice %arg7[%add3A_332, %mul3A_350] : memref<8x512xi32, #tpu.memory_space<vmem>> -> memref<1x32xi32, #tpu.memory_space<vmem>>
      %dma_wait3A_357 = tpu.memref_squeeze %dma_wait3A_356 : memref<1x32xi32, #tpu.memory_space<vmem>> -> memref<32xi32, #tpu.memory_space<vmem>>
      %dma_wait3A_358 = arith.constant 0 : i32
      %dma_wait3A_359 = arith.constant 512 : i32
      %dma_wait3A_360 = tpu.memref_slice %arg3[%dma_wait3A_358, %dma_wait3A_359] : memref<23236x1728xf32, #tpu.memory_space<hbm>> -> memref<23236x512xf32, #tpu.memory_space<hbm>>
      tpu.wait_indirect_dma semaphore(%arg19 : memref<!tpu.dma_semaphore, #tpu.memory_space<semaphore_mem>>) src(%dma_wait3A_360 : memref<23236x512xf32, #tpu.memory_space<hbm>>) dst(%arg14 : memref<32x512xf32, #tpu.memory_space<vmem>>)
      %dma_wait3A_361 = tpu.memref_slice %arg7[%add3A_332, %mul3A_350] : memref<8x512xi32, #tpu.memory_space<vmem>> -> memref<1x32xi32, #tpu.memory_space<vmem>>
      %dma_wait3A_362 = tpu.memref_squeeze %dma_wait3A_361 : memref<1x32xi32, #tpu.memory_space<vmem>> -> memref<32xi32, #tpu.memory_space<vmem>>
      %dma_wait3A_363 = arith.constant 0 : i32
      %dma_wait3A_364 = arith.constant 1024 : i32
      %dma_wait3A_365 = tpu.memref_slice %arg3[%dma_wait3A_363, %dma_wait3A_364] : memref<23236x1728xf32, #tpu.memory_space<hbm>> -> memref<23236x512xf32, #tpu.memory_space<hbm>>
      tpu.wait_indirect_dma semaphore(%arg19 : memref<!tpu.dma_semaphore, #tpu.memory_space<semaphore_mem>>) src(%dma_wait3A_365 : memref<23236x512xf32, #tpu.memory_space<hbm>>) dst(%arg15 : memref<32x512xf32, #tpu.memory_space<vmem>>)
      %dma_wait3A_366 = tpu.memref_slice %arg7[%add3A_332, %mul3A_350] : memref<8x512xi32, #tpu.memory_space<vmem>> -> memref<1x32xi32, #tpu.memory_space<vmem>>
      %dma_wait3A_367 = tpu.memref_squeeze %dma_wait3A_366 : memref<1x32xi32, #tpu.memory_space<vmem>> -> memref<32xi32, #tpu.memory_space<vmem>>
      %dma_wait3A_368 = arith.constant 0 : i32
      %dma_wait3A_369 = arith.constant 1536 : i32
      %dma_wait3A_370 = tpu.memref_slice %arg3[%dma_wait3A_368, %dma_wait3A_369] : memref<23236x1728xf32, #tpu.memory_space<hbm>> -> memref<23236x128xf32, #tpu.memory_space<hbm>>
      tpu.wait_indirect_dma semaphore(%arg19 : memref<!tpu.dma_semaphore, #tpu.memory_space<semaphore_mem>>) src(%dma_wait3A_370 : memref<23236x128xf32, #tpu.memory_space<hbm>>) dst(%arg16 : memref<32x128xf32, #tpu.memory_space<vmem>>)
      %dma_wait3A_371 = tpu.memref_slice %arg7[%add3A_332, %mul3A_350] : memref<8x512xi32, #tpu.memory_space<vmem>> -> memref<1x32xi32, #tpu.memory_space<vmem>>
      %dma_wait3A_372 = tpu.memref_squeeze %dma_wait3A_371 : memref<1x32xi32, #tpu.memory_space<vmem>> -> memref<32xi32, #tpu.memory_space<vmem>>
      %dma_wait3A_373 = arith.constant 0 : i32
      %dma_wait3A_374 = arith.constant 0 : i32
      %dma_wait3A_375 = tpu.memref_slice %arg4[%dma_wait3A_373, %dma_wait3A_374] : memref<23236x128xf32, #tpu.memory_space<hbm>> -> memref<23236x128xf32, #tpu.memory_space<hbm>>
      tpu.wait_indirect_dma semaphore(%arg19 : memref<!tpu.dma_semaphore, #tpu.memory_space<semaphore_mem>>) src(%dma_wait3A_375 : memref<23236x128xf32, #tpu.memory_space<hbm>>) dst(%arg17 : memref<32x128xf32, #tpu.memory_space<vmem>>)
      %add3A_376 = arith.constant 1 : i32
      %add3A_377 = arith.addi %add3A_307, %add3A_376 : i32
      %lt3A_378 = arith.constant 32 : i32
      %lt3A_379 = arith.cmpi slt, %add3A_377, %lt3A_378 : i32
      %convert_element_type3A_380 = arith.extui %lt3A_379 : i1 to i32
      %cond3A_381 = arith.constant 0 : i32
      %cond3A_382 = arith.cmpi ne, %convert_element_type3A_380, %cond3A_381 : i32
      scf.if %cond3A_382 {
        %add3A_456 = arith.constant 1 : i32
        %add3A_457 = arith.addi %add3A_307, %add3A_456 : i32
        %ge3A = arith.constant 2 : i32
        %ge3A_458 = arith.cmpi sge, %add3A_457, %ge3A : i32
        %convert_element_type3A_459 = arith.extui %ge3A_458 : i1 to i32
        %cond3A_460 = arith.constant 0 : i32
        %cond3A_461 = arith.cmpi ne, %convert_element_type3A_459, %cond3A_460 : i32
        scf.if %cond3A_461 {
          %add3A_532 = arith.constant 1 : i32
          %add3A_533 = arith.addi %add3A_307, %add3A_532 : i32
          %sub3A_534 = arith.constant 2 : i32
          %sub3A_535 = arith.subi %add3A_533, %sub3A_534 : i32
          %jit3A_536 = arith.constant 16 : i32
          %div3A_537 = arith.divsi %sub3A_535, %jit3A_536 : i32
          %sign3A_538 = arith.constant 0 : i32
          %sign3A_539 = arith.cmpi sgt, %sub3A_535, %sign3A_538 : i32
          %sign3A_540 = arith.extui %sign3A_539 : i1 to i32
          %sign3A_541 = arith.constant 0 : i32
          %sign3A_542 = arith.cmpi slt, %sub3A_535, %sign3A_541 : i32
          %sign3A_543 = arith.extui %sign3A_542 : i1 to i32
          %sign3A_544 = arith.subi %sign3A_540, %sign3A_543 : i32
          %sign3A_545 = arith.constant 0 : i32
          %sign3A_546 = arith.cmpi sgt, %jit3A_536, %sign3A_545 : i32
          %sign3A_547 = arith.extui %sign3A_546 : i1 to i32
          %sign3A_548 = arith.constant 0 : i32
          %sign3A_549 = arith.cmpi slt, %jit3A_536, %sign3A_548 : i32
          %sign3A_550 = arith.extui %sign3A_549 : i1 to i32
          %sign3A_551 = arith.subi %sign3A_547, %sign3A_550 : i32
          %ne3A_552 = arith.cmpi ne, %sign3A_544, %sign3A_551 : i32
          %rem3A_553 = arith.remsi %sub3A_535, %jit3A_536 : i32
          %ne3A_554 = arith.constant 0 : i32
          %ne3A_555 = arith.cmpi ne, %rem3A_553, %ne3A_554 : i32
          %and3A_556 = arith.andi %ne3A_552, %ne3A_555 : i1
          %sub3A_557 = arith.constant 1 : i32
          %sub3A_558 = arith.subi %div3A_537, %sub3A_557 : i32
          %select_n3A_559 = arith.select %and3A_556, %sub3A_558, %div3A_537 : i32
          %add3A_560 = arith.addi %mul3A_2, %select_n3A_559 : i32
          %jit3A_561 = arith.constant 16 : i32
          %eq3A_562 = arith.constant 0 : i32
          %eq3A_563 = arith.cmpi eq, %jit3A_561, %eq3A_562 : i32
          %jit3A_564 = arith.constant 1 : i32
          %select_n3A_565 = arith.select %eq3A_563, %jit3A_564, %jit3A_561 : i32
          %rem3A_566 = arith.remsi %sub3A_535, %select_n3A_565 : i32
          %ne3A_567 = arith.constant 0 : i32
          %ne3A_568 = arith.cmpi ne, %rem3A_566, %ne3A_567 : i32
          %lt3A_569 = arith.constant 0 : i32
          %lt3A_570 = arith.cmpi slt, %rem3A_566, %lt3A_569 : i32
          %lt3A_571 = arith.constant 0 : i32
          %lt3A_572 = arith.cmpi slt, %select_n3A_565, %lt3A_571 : i32
          %ne3A_573 = arith.xori %lt3A_570, %lt3A_572 : i1
          %and3A_574 = arith.andi %ne3A_573, %ne3A_568 : i1
          %add3A_575 = arith.addi %rem3A_566, %select_n3A_565 : i32
          %select_n3A_576 = arith.select %and3A_574, %add3A_575, %rem3A_566 : i32
          %mul3A_577 = arith.constant 32 : i32
          %mul3A_578 = arith.muli %select_n3A_576, %mul3A_577 : i32
          %dma_wait3A_579 = arith.constant 0 : i32
          %dma_wait3A_580 = tpu.memref_slice %arg5[%add3A_560, %mul3A_578, %dma_wait3A_579] : memref<64x512x1728xf32, #tpu.memory_space<hbm>> -> memref<1x32x512xf32, #tpu.memory_space<hbm>>
          %dma_wait3A_581 = tpu.memref_squeeze %dma_wait3A_580 : memref<1x32x512xf32, #tpu.memory_space<hbm>> -> memref<32x512xf32, #tpu.memory_space<hbm>>
          %dma_wait3A_582 = arith.constant 0 : i32
          %dma_wait3A_583 = tpu.memref_slice %arg5[%add3A_560, %mul3A_578, %dma_wait3A_582] : memref<64x512x1728xf32, #tpu.memory_space<hbm>> -> memref<1x32x512xf32, #tpu.memory_space<hbm>>
          %dma_wait3A_584 = tpu.memref_squeeze %dma_wait3A_583 : memref<1x32x512xf32, #tpu.memory_space<hbm>> -> memref<32x512xf32, #tpu.memory_space<hbm>>
          tpu.wait_dma2 semaphore(%arg20 : memref<!tpu.dma_semaphore, #tpu.memory_space<semaphore_mem>>) src(%arg8 : memref<32x512xf32, #tpu.memory_space<vmem>>) dst(%dma_wait3A_584 : memref<32x512xf32, #tpu.memory_space<hbm>>)
          %dma_wait3A_585 = arith.constant 512 : i32
          %dma_wait3A_586 = tpu.memref_slice %arg5[%add3A_560, %mul3A_578, %dma_wait3A_585] : memref<64x512x1728xf32, #tpu.memory_space<hbm>> -> memref<1x32x512xf32, #tpu.memory_space<hbm>>
          %dma_wait3A_587 = tpu.memref_squeeze %dma_wait3A_586 : memref<1x32x512xf32, #tpu.memory_space<hbm>> -> memref<32x512xf32, #tpu.memory_space<hbm>>
          %dma_wait3A_588 = arith.constant 512 : i32
          %dma_wait3A_589 = tpu.memref_slice %arg5[%add3A_560, %mul3A_578, %dma_wait3A_588] : memref<64x512x1728xf32, #tpu.memory_space<hbm>> -> memref<1x32x512xf32, #tpu.memory_space<hbm>>
          %dma_wait3A_590 = tpu.memref_squeeze %dma_wait3A_589 : memref<1x32x512xf32, #tpu.memory_space<hbm>> -> memref<32x512xf32, #tpu.memory_space<hbm>>
          tpu.wait_dma2 semaphore(%arg20 : memref<!tpu.dma_semaphore, #tpu.memory_space<semaphore_mem>>) src(%arg9 : memref<32x512xf32, #tpu.memory_space<vmem>>) dst(%dma_wait3A_590 : memref<32x512xf32, #tpu.memory_space<hbm>>)
          %dma_wait3A_591 = arith.constant 1024 : i32
          %dma_wait3A_592 = tpu.memref_slice %arg5[%add3A_560, %mul3A_578, %dma_wait3A_591] : memref<64x512x1728xf32, #tpu.memory_space<hbm>> -> memref<1x32x512xf32, #tpu.memory_space<hbm>>
          %dma_wait3A_593 = tpu.memref_squeeze %dma_wait3A_592 : memref<1x32x512xf32, #tpu.memory_space<hbm>> -> memref<32x512xf32, #tpu.memory_space<hbm>>
          %dma_wait3A_594 = arith.constant 1024 : i32
          %dma_wait3A_595 = tpu.memref_slice %arg5[%add3A_560, %mul3A_578, %dma_wait3A_594] : memref<64x512x1728xf32, #tpu.memory_space<hbm>> -> memref<1x32x512xf32, #tpu.memory_space<hbm>>
          %dma_wait3A_596 = tpu.memref_squeeze %dma_wait3A_595 : memref<1x32x512xf32, #tpu.memory_space<hbm>> -> memref<32x512xf32, #tpu.memory_space<hbm>>
          tpu.wait_dma2 semaphore(%arg20 : memref<!tpu.dma_semaphore, #tpu.memory_space<semaphore_mem>>) src(%arg10 : memref<32x512xf32, #tpu.memory_space<vmem>>) dst(%dma_wait3A_596 : memref<32x512xf32, #tpu.memory_space<hbm>>)
          %dma_wait3A_597 = arith.constant 1536 : i32
          %dma_wait3A_598 = tpu.memref_slice %arg5[%add3A_560, %mul3A_578, %dma_wait3A_597] : memref<64x512x1728xf32, #tpu.memory_space<hbm>> -> memref<1x32x128xf32, #tpu.memory_space<hbm>>
          %dma_wait3A_599 = tpu.memref_squeeze %dma_wait3A_598 : memref<1x32x128xf32, #tpu.memory_space<hbm>> -> memref<32x128xf32, #tpu.memory_space<hbm>>
          %dma_wait3A_600 = arith.constant 1536 : i32
          %dma_wait3A_601 = tpu.memref_slice %arg5[%add3A_560, %mul3A_578, %dma_wait3A_600] : memref<64x512x1728xf32, #tpu.memory_space<hbm>> -> memref<1x32x128xf32, #tpu.memory_space<hbm>>
          %dma_wait3A_602 = tpu.memref_squeeze %dma_wait3A_601 : memref<1x32x128xf32, #tpu.memory_space<hbm>> -> memref<32x128xf32, #tpu.memory_space<hbm>>
          tpu.wait_dma2 semaphore(%arg20 : memref<!tpu.dma_semaphore, #tpu.memory_space<semaphore_mem>>) src(%arg11 : memref<32x128xf32, #tpu.memory_space<vmem>>) dst(%dma_wait3A_602 : memref<32x128xf32, #tpu.memory_space<hbm>>)
          %dma_wait3A_603 = arith.constant 0 : i32
          %dma_wait3A_604 = tpu.memref_slice %arg6[%add3A_560, %mul3A_578, %dma_wait3A_603] : memref<64x512x128xf32, #tpu.memory_space<hbm>> -> memref<1x32x128xf32, #tpu.memory_space<hbm>>
          %dma_wait3A_605 = tpu.memref_squeeze %dma_wait3A_604 : memref<1x32x128xf32, #tpu.memory_space<hbm>> -> memref<32x128xf32, #tpu.memory_space<hbm>>
          %dma_wait3A_606 = arith.constant 0 : i32
          %dma_wait3A_607 = tpu.memref_slice %arg6[%add3A_560, %mul3A_578, %dma_wait3A_606] : memref<64x512x128xf32, #tpu.memory_space<hbm>> -> memref<1x32x128xf32, #tpu.memory_space<hbm>>
          %dma_wait3A_608 = tpu.memref_squeeze %dma_wait3A_607 : memref<1x32x128xf32, #tpu.memory_space<hbm>> -> memref<32x128xf32, #tpu.memory_space<hbm>>
          tpu.wait_dma2 semaphore(%arg20 : memref<!tpu.dma_semaphore, #tpu.memory_space<semaphore_mem>>) src(%arg12 : memref<32x128xf32, #tpu.memory_space<vmem>>) dst(%dma_wait3A_608 : memref<32x128xf32, #tpu.memory_space<hbm>>)
        } else {
        }
        %add3A_462 = arith.constant 1 : i32
        %add3A_463 = arith.addi %add3A_307, %add3A_462 : i32
        %jit3A_464 = arith.constant 16 : i32
        %div3A_465 = arith.divsi %add3A_463, %jit3A_464 : i32
        %sign3A_466 = arith.constant 0 : i32
        %sign3A_467 = arith.cmpi sgt, %add3A_463, %sign3A_466 : i32
        %sign3A_468 = arith.extui %sign3A_467 : i1 to i32
        %sign3A_469 = arith.constant 0 : i32
        %sign3A_470 = arith.cmpi slt, %add3A_463, %sign3A_469 : i32
        %sign3A_471 = arith.extui %sign3A_470 : i1 to i32
        %sign3A_472 = arith.subi %sign3A_468, %sign3A_471 : i32
        %sign3A_473 = arith.constant 0 : i32
        %sign3A_474 = arith.cmpi sgt, %jit3A_464, %sign3A_473 : i32
        %sign3A_475 = arith.extui %sign3A_474 : i1 to i32
        %sign3A_476 = arith.constant 0 : i32
        %sign3A_477 = arith.cmpi slt, %jit3A_464, %sign3A_476 : i32
        %sign3A_478 = arith.extui %sign3A_477 : i1 to i32
        %sign3A_479 = arith.subi %sign3A_475, %sign3A_478 : i32
        %ne3A_480 = arith.cmpi ne, %sign3A_472, %sign3A_479 : i32
        %rem3A_481 = arith.remsi %add3A_463, %jit3A_464 : i32
        %ne3A_482 = arith.constant 0 : i32
        %ne3A_483 = arith.cmpi ne, %rem3A_481, %ne3A_482 : i32
        %and3A_484 = arith.andi %ne3A_480, %ne3A_483 : i1
        %sub3A_485 = arith.constant 1 : i32
        %sub3A_486 = arith.subi %div3A_465, %sub3A_485 : i32
        %select_n3A_487 = arith.select %and3A_484, %sub3A_486, %div3A_465 : i32
        %add3A_488 = arith.addi %select_n3A_32, %select_n3A_487 : i32
        %jit3A_489 = arith.constant 16 : i32
        %eq3A_490 = arith.constant 0 : i32
        %eq3A_491 = arith.cmpi eq, %jit3A_489, %eq3A_490 : i32
        %jit3A_492 = arith.constant 1 : i32
        %select_n3A_493 = arith.select %eq3A_491, %jit3A_492, %jit3A_489 : i32
        %rem3A_494 = arith.remsi %add3A_463, %select_n3A_493 : i32
        %ne3A_495 = arith.constant 0 : i32
        %ne3A_496 = arith.cmpi ne, %rem3A_494, %ne3A_495 : i32
        %lt3A_497 = arith.constant 0 : i32
        %lt3A_498 = arith.cmpi slt, %rem3A_494, %lt3A_497 : i32
        %lt3A_499 = arith.constant 0 : i32
        %lt3A_500 = arith.cmpi slt, %select_n3A_493, %lt3A_499 : i32
        %ne3A_501 = arith.xori %lt3A_498, %lt3A_500 : i1
        %and3A_502 = arith.andi %ne3A_501, %ne3A_496 : i1
        %add3A_503 = arith.addi %rem3A_494, %select_n3A_493 : i32
        %select_n3A_504 = arith.select %and3A_502, %add3A_503, %rem3A_494 : i32
        %mul3A_505 = arith.constant 32 : i32
        %mul3A_506 = arith.muli %select_n3A_504, %mul3A_505 : i32
        %dma_start3A_507 = tpu.memref_slice %arg7[%add3A_488, %mul3A_506] : memref<8x512xi32, #tpu.memory_space<vmem>> -> memref<1x32xi32, #tpu.memory_space<vmem>>
        %dma_start3A_508 = tpu.memref_squeeze %dma_start3A_507 : memref<1x32xi32, #tpu.memory_space<vmem>> -> memref<32xi32, #tpu.memory_space<vmem>>
        %dma_start3A_509 = arith.constant 0 : i32
        %dma_start3A_510 = arith.constant 0 : i32
        %dma_start3A_511 = tpu.memref_slice %arg3[%dma_start3A_509, %dma_start3A_510] : memref<23236x1728xf32, #tpu.memory_space<hbm>> -> memref<23236x512xf32, #tpu.memory_space<hbm>>
        tpu.enqueue_indirect_dma source(%dma_start3A_511 : memref<23236x512xf32, #tpu.memory_space<hbm>>) target(%arg8 : memref<32x512xf32, #tpu.memory_space<vmem>>) offsets(%dma_start3A_508 : memref<32xi32, #tpu.memory_space<vmem>>) semaphore(%arg18 : memref<!tpu.dma_semaphore, #tpu.memory_space<semaphore_mem>>)
        %dma_start3A_512 = tpu.memref_slice %arg7[%add3A_488, %mul3A_506] : memref<8x512xi32, #tpu.memory_space<vmem>> -> memref<1x32xi32, #tpu.memory_space<vmem>>
        %dma_start3A_513 = tpu.memref_squeeze %dma_start3A_512 : memref<1x32xi32, #tpu.memory_space<vmem>> -> memref<32xi32, #tpu.memory_space<vmem>>
        %dma_start3A_514 = arith.constant 0 : i32
        %dma_start3A_515 = arith.constant 512 : i32
        %dma_start3A_516 = tpu.memref_slice %arg3[%dma_start3A_514, %dma_start3A_515] : memref<23236x1728xf32, #tpu.memory_space<hbm>> -> memref<23236x512xf32, #tpu.memory_space<hbm>>
        tpu.enqueue_indirect_dma source(%dma_start3A_516 : memref<23236x512xf32, #tpu.memory_space<hbm>>) target(%arg9 : memref<32x512xf32, #tpu.memory_space<vmem>>) offsets(%dma_start3A_513 : memref<32xi32, #tpu.memory_space<vmem>>) semaphore(%arg18 : memref<!tpu.dma_semaphore, #tpu.memory_space<semaphore_mem>>)
        %dma_start3A_517 = tpu.memref_slice %arg7[%add3A_488, %mul3A_506] : memref<8x512xi32, #tpu.memory_space<vmem>> -> memref<1x32xi32, #tpu.memory_space<vmem>>
        %dma_start3A_518 = tpu.memref_squeeze %dma_start3A_517 : memref<1x32xi32, #tpu.memory_space<vmem>> -> memref<32xi32, #tpu.memory_space<vmem>>
        %dma_start3A_519 = arith.constant 0 : i32
        %dma_start3A_520 = arith.constant 1024 : i32
        %dma_start3A_521 = tpu.memref_slice %arg3[%dma_start3A_519, %dma_start3A_520] : memref<23236x1728xf32, #tpu.memory_space<hbm>> -> memref<23236x512xf32, #tpu.memory_space<hbm>>
        tpu.enqueue_indirect_dma source(%dma_start3A_521 : memref<23236x512xf32, #tpu.memory_space<hbm>>) target(%arg10 : memref<32x512xf32, #tpu.memory_space<vmem>>) offsets(%dma_start3A_518 : memref<32xi32, #tpu.memory_space<vmem>>) semaphore(%arg18 : memref<!tpu.dma_semaphore, #tpu.memory_space<semaphore_mem>>)
        %dma_start3A_522 = tpu.memref_slice %arg7[%add3A_488, %mul3A_506] : memref<8x512xi32, #tpu.memory_space<vmem>> -> memref<1x32xi32, #tpu.memory_space<vmem>>
        %dma_start3A_523 = tpu.memref_squeeze %dma_start3A_522 : memref<1x32xi32, #tpu.memory_space<vmem>> -> memref<32xi32, #tpu.memory_space<vmem>>
        %dma_start3A_524 = arith.constant 0 : i32
        %dma_start3A_525 = arith.constant 1536 : i32
        %dma_start3A_526 = tpu.memref_slice %arg3[%dma_start3A_524, %dma_start3A_525] : memref<23236x1728xf32, #tpu.memory_space<hbm>> -> memref<23236x128xf32, #tpu.memory_space<hbm>>
        tpu.enqueue_indirect_dma source(%dma_start3A_526 : memref<23236x128xf32, #tpu.memory_space<hbm>>) target(%arg11 : memref<32x128xf32, #tpu.memory_space<vmem>>) offsets(%dma_start3A_523 : memref<32xi32, #tpu.memory_space<vmem>>) semaphore(%arg18 : memref<!tpu.dma_semaphore, #tpu.memory_space<semaphore_mem>>)
        %dma_start3A_527 = tpu.memref_slice %arg7[%add3A_488, %mul3A_506] : memref<8x512xi32, #tpu.memory_space<vmem>> -> memref<1x32xi32, #tpu.memory_space<vmem>>
        %dma_start3A_528 = tpu.memref_squeeze %dma_start3A_527 : memref<1x32xi32, #tpu.memory_space<vmem>> -> memref<32xi32, #tpu.memory_space<vmem>>
        %dma_start3A_529 = arith.constant 0 : i32
        %dma_start3A_530 = arith.constant 0 : i32
        %dma_start3A_531 = tpu.memref_slice %arg4[%dma_start3A_529, %dma_start3A_530] : memref<23236x128xf32, #tpu.memory_space<hbm>> -> memref<23236x128xf32, #tpu.memory_space<hbm>>
        tpu.enqueue_indirect_dma source(%dma_start3A_531 : memref<23236x128xf32, #tpu.memory_space<hbm>>) target(%arg12 : memref<32x128xf32, #tpu.memory_space<vmem>>) offsets(%dma_start3A_528 : memref<32xi32, #tpu.memory_space<vmem>>) semaphore(%arg18 : memref<!tpu.dma_semaphore, #tpu.memory_space<semaphore_mem>>)
      } else {
      }
      %jit3A_383 = arith.constant 16 : i32
      %div3A_384 = arith.divsi %add3A_307, %jit3A_383 : i32
      %sign3A_385 = arith.constant 0 : i32
      %sign3A_386 = arith.cmpi sgt, %add3A_307, %sign3A_385 : i32
      %sign3A_387 = arith.extui %sign3A_386 : i1 to i32
      %sign3A_388 = arith.constant 0 : i32
      %sign3A_389 = arith.cmpi slt, %add3A_307, %sign3A_388 : i32
      %sign3A_390 = arith.extui %sign3A_389 : i1 to i32
      %sign3A_391 = arith.subi %sign3A_387, %sign3A_390 : i32
      %sign3A_392 = arith.constant 0 : i32
      %sign3A_393 = arith.cmpi sgt, %jit3A_383, %sign3A_392 : i32
      %sign3A_394 = arith.extui %sign3A_393 : i1 to i32
      %sign3A_395 = arith.constant 0 : i32
      %sign3A_396 = arith.cmpi slt, %jit3A_383, %sign3A_395 : i32
      %sign3A_397 = arith.extui %sign3A_396 : i1 to i32
      %sign3A_398 = arith.subi %sign3A_394, %sign3A_397 : i32
      %ne3A_399 = arith.cmpi ne, %sign3A_391, %sign3A_398 : i32
      %rem3A_400 = arith.remsi %add3A_307, %jit3A_383 : i32
      %ne3A_401 = arith.constant 0 : i32
      %ne3A_402 = arith.cmpi ne, %rem3A_400, %ne3A_401 : i32
      %and3A_403 = arith.andi %ne3A_399, %ne3A_402 : i1
      %sub3A_404 = arith.constant 1 : i32
      %sub3A_405 = arith.subi %div3A_384, %sub3A_404 : i32
      %select_n3A_406 = arith.select %and3A_403, %sub3A_405, %div3A_384 : i32
      %add3A_407 = arith.addi %mul3A_2, %select_n3A_406 : i32
      %jit3A_408 = arith.constant 16 : i32
      %eq3A_409 = arith.constant 0 : i32
      %eq3A_410 = arith.cmpi eq, %jit3A_408, %eq3A_409 : i32
      %jit3A_411 = arith.constant 1 : i32
      %select_n3A_412 = arith.select %eq3A_410, %jit3A_411, %jit3A_408 : i32
      %rem3A_413 = arith.remsi %add3A_307, %select_n3A_412 : i32
      %ne3A_414 = arith.constant 0 : i32
      %ne3A_415 = arith.cmpi ne, %rem3A_413, %ne3A_414 : i32
      %lt3A_416 = arith.constant 0 : i32
      %lt3A_417 = arith.cmpi slt, %rem3A_413, %lt3A_416 : i32
      %lt3A_418 = arith.constant 0 : i32
      %lt3A_419 = arith.cmpi slt, %select_n3A_412, %lt3A_418 : i32
      %ne3A_420 = arith.xori %lt3A_417, %lt3A_419 : i1
      %and3A_421 = arith.andi %ne3A_420, %ne3A_415 : i1
      %add3A_422 = arith.addi %rem3A_413, %select_n3A_412 : i32
      %select_n3A_423 = arith.select %and3A_421, %add3A_422, %rem3A_413 : i32
      %mul3A_424 = arith.constant 32 : i32
      %mul3A_425 = arith.muli %select_n3A_423, %mul3A_424 : i32
      %dma_start3A_426 = arith.constant 0 : i32
      %dma_start3A_427 = tpu.memref_slice %arg5[%add3A_407, %mul3A_425, %dma_start3A_426] : memref<64x512x1728xf32, #tpu.memory_space<hbm>> -> memref<1x32x512xf32, #tpu.memory_space<hbm>>
      %dma_start3A_428 = tpu.memref_squeeze %dma_start3A_427 : memref<1x32x512xf32, #tpu.memory_space<hbm>> -> memref<32x512xf32, #tpu.memory_space<hbm>>
      %dma_start3A_429 = arith.constant 0 : i32
      %dma_start3A_430 = tpu.memref_slice %arg5[%add3A_407, %mul3A_425, %dma_start3A_429] : memref<64x512x1728xf32, #tpu.memory_space<hbm>> -> memref<1x32x512xf32, #tpu.memory_space<hbm>>
      %dma_start3A_431 = tpu.memref_squeeze %dma_start3A_430 : memref<1x32x512xf32, #tpu.memory_space<hbm>> -> memref<32x512xf32, #tpu.memory_space<hbm>>
      tpu.enqueue_dma source(%arg13 : memref<32x512xf32, #tpu.memory_space<vmem>>) target(%dma_start3A_431 : memref<32x512xf32, #tpu.memory_space<hbm>>) target_semaphore(%arg21 : memref<!tpu.dma_semaphore, #tpu.memory_space<semaphore_mem>>)
      %dma_start3A_432 = arith.constant 512 : i32
      %dma_start3A_433 = tpu.memref_slice %arg5[%add3A_407, %mul3A_425, %dma_start3A_432] : memref<64x512x1728xf32, #tpu.memory_space<hbm>> -> memref<1x32x512xf32, #tpu.memory_space<hbm>>
      %dma_start3A_434 = tpu.memref_squeeze %dma_start3A_433 : memref<1x32x512xf32, #tpu.memory_space<hbm>> -> memref<32x512xf32, #tpu.memory_space<hbm>>
      %dma_start3A_435 = arith.constant 512 : i32
      %dma_start3A_436 = tpu.memref_slice %arg5[%add3A_407, %mul3A_425, %dma_start3A_435] : memref<64x512x1728xf32, #tpu.memory_space<hbm>> -> memref<1x32x512xf32, #tpu.memory_space<hbm>>
      %dma_start3A_437 = tpu.memref_squeeze %dma_start3A_436 : memref<1x32x512xf32, #tpu.memory_space<hbm>> -> memref<32x512xf32, #tpu.memory_space<hbm>>
      tpu.enqueue_dma source(%arg14 : memref<32x512xf32, #tpu.memory_space<vmem>>) target(%dma_start3A_437 : memref<32x512xf32, #tpu.memory_space<hbm>>) target_semaphore(%arg21 : memref<!tpu.dma_semaphore, #tpu.memory_space<semaphore_mem>>)
      %dma_start3A_438 = arith.constant 1024 : i32
      %dma_start3A_439 = tpu.memref_slice %arg5[%add3A_407, %mul3A_425, %dma_start3A_438] : memref<64x512x1728xf32, #tpu.memory_space<hbm>> -> memref<1x32x512xf32, #tpu.memory_space<hbm>>
      %dma_start3A_440 = tpu.memref_squeeze %dma_start3A_439 : memref<1x32x512xf32, #tpu.memory_space<hbm>> -> memref<32x512xf32, #tpu.memory_space<hbm>>
      %dma_start3A_441 = arith.constant 1024 : i32
      %dma_start3A_442 = tpu.memref_slice %arg5[%add3A_407, %mul3A_425, %dma_start3A_441] : memref<64x512x1728xf32, #tpu.memory_space<hbm>> -> memref<1x32x512xf32, #tpu.memory_space<hbm>>
      %dma_start3A_443 = tpu.memref_squeeze %dma_start3A_442 : memref<1x32x512xf32, #tpu.memory_space<hbm>> -> memref<32x512xf32, #tpu.memory_space<hbm>>
      tpu.enqueue_dma source(%arg15 : memref<32x512xf32, #tpu.memory_space<vmem>>) target(%dma_start3A_443 : memref<32x512xf32, #tpu.memory_space<hbm>>) target_semaphore(%arg21 : memref<!tpu.dma_semaphore, #tpu.memory_space<semaphore_mem>>)
      %dma_start3A_444 = arith.constant 1536 : i32
      %dma_start3A_445 = tpu.memref_slice %arg5[%add3A_407, %mul3A_425, %dma_start3A_444] : memref<64x512x1728xf32, #tpu.memory_space<hbm>> -> memref<1x32x128xf32, #tpu.memory_space<hbm>>
      %dma_start3A_446 = tpu.memref_squeeze %dma_start3A_445 : memref<1x32x128xf32, #tpu.memory_space<hbm>> -> memref<32x128xf32, #tpu.memory_space<hbm>>
      %dma_start3A_447 = arith.constant 1536 : i32
      %dma_start3A_448 = tpu.memref_slice %arg5[%add3A_407, %mul3A_425, %dma_start3A_447] : memref<64x512x1728xf32, #tpu.memory_space<hbm>> -> memref<1x32x128xf32, #tpu.memory_space<hbm>>
      %dma_start3A_449 = tpu.memref_squeeze %dma_start3A_448 : memref<1x32x128xf32, #tpu.memory_space<hbm>> -> memref<32x128xf32, #tpu.memory_space<hbm>>
      tpu.enqueue_dma source(%arg16 : memref<32x128xf32, #tpu.memory_space<vmem>>) target(%dma_start3A_449 : memref<32x128xf32, #tpu.memory_space<hbm>>) target_semaphore(%arg21 : memref<!tpu.dma_semaphore, #tpu.memory_space<semaphore_mem>>)
      %dma_start3A_450 = arith.constant 0 : i32
      %dma_start3A_451 = tpu.memref_slice %arg6[%add3A_407, %mul3A_425, %dma_start3A_450] : memref<64x512x128xf32, #tpu.memory_space<hbm>> -> memref<1x32x128xf32, #tpu.memory_space<hbm>>
      %dma_start3A_452 = tpu.memref_squeeze %dma_start3A_451 : memref<1x32x128xf32, #tpu.memory_space<hbm>> -> memref<32x128xf32, #tpu.memory_space<hbm>>
      %dma_start3A_453 = arith.constant 0 : i32
      %dma_start3A_454 = tpu.memref_slice %arg6[%add3A_407, %mul3A_425, %dma_start3A_453] : memref<64x512x128xf32, #tpu.memory_space<hbm>> -> memref<1x32x128xf32, #tpu.memory_space<hbm>>
      %dma_start3A_455 = tpu.memref_squeeze %dma_start3A_454 : memref<1x32x128xf32, #tpu.memory_space<hbm>> -> memref<32x128xf32, #tpu.memory_space<hbm>>
      tpu.enqueue_dma source(%arg17 : memref<32x128xf32, #tpu.memory_space<vmem>>) target(%dma_start3A_455 : memref<32x128xf32, #tpu.memory_space<hbm>>) target_semaphore(%arg21 : memref<!tpu.dma_semaphore, #tpu.memory_space<semaphore_mem>>)
    }
    %scan3A_69 = arith.constant 16 : i32
    %add3A_70 = arith.constant 1 : i32
    %add3A_71 = arith.addi %mul3A_2, %add3A_70 : i32
    %dma_wait3A = arith.constant 448 : i32
    %dma_wait3A_72 = arith.constant 0 : i32
    %dma_wait3A_73 = tpu.memref_slice %arg5[%add3A_71, %dma_wait3A, %dma_wait3A_72] : memref<64x512x1728xf32, #tpu.memory_space<hbm>> -> memref<1x32x512xf32, #tpu.memory_space<hbm>>
    %dma_wait3A_74 = tpu.memref_squeeze %dma_wait3A_73 : memref<1x32x512xf32, #tpu.memory_space<hbm>> -> memref<32x512xf32, #tpu.memory_space<hbm>>
    %dma_wait3A_75 = arith.constant 448 : i32
    %dma_wait3A_76 = arith.constant 0 : i32
    %dma_wait3A_77 = tpu.memref_slice %arg5[%add3A_71, %dma_wait3A_75, %dma_wait3A_76] : memref<64x512x1728xf32, #tpu.memory_space<hbm>> -> memref<1x32x512xf32, #tpu.memory_space<hbm>>
    %dma_wait3A_78 = tpu.memref_squeeze %dma_wait3A_77 : memref<1x32x512xf32, #tpu.memory_space<hbm>> -> memref<32x512xf32, #tpu.memory_space<hbm>>
    tpu.wait_dma2 semaphore(%arg20 : memref<!tpu.dma_semaphore, #tpu.memory_space<semaphore_mem>>) src(%arg8 : memref<32x512xf32, #tpu.memory_space<vmem>>) dst(%dma_wait3A_78 : memref<32x512xf32, #tpu.memory_space<hbm>>)
    %dma_wait3A_79 = arith.constant 448 : i32
    %dma_wait3A_80 = arith.constant 512 : i32
    %dma_wait3A_81 = tpu.memref_slice %arg5[%add3A_71, %dma_wait3A_79, %dma_wait3A_80] : memref<64x512x1728xf32, #tpu.memory_space<hbm>> -> memref<1x32x512xf32, #tpu.memory_space<hbm>>
    %dma_wait3A_82 = tpu.memref_squeeze %dma_wait3A_81 : memref<1x32x512xf32, #tpu.memory_space<hbm>> -> memref<32x512xf32, #tpu.memory_space<hbm>>
    %dma_wait3A_83 = arith.constant 448 : i32
    %dma_wait3A_84 = arith.constant 512 : i32
    %dma_wait3A_85 = tpu.memref_slice %arg5[%add3A_71, %dma_wait3A_83, %dma_wait3A_84] : memref<64x512x1728xf32, #tpu.memory_space<hbm>> -> memref<1x32x512xf32, #tpu.memory_space<hbm>>
    %dma_wait3A_86 = tpu.memref_squeeze %dma_wait3A_85 : memref<1x32x512xf32, #tpu.memory_space<hbm>> -> memref<32x512xf32, #tpu.memory_space<hbm>>
    tpu.wait_dma2 semaphore(%arg20 : memref<!tpu.dma_semaphore, #tpu.memory_space<semaphore_mem>>) src(%arg9 : memref<32x512xf32, #tpu.memory_space<vmem>>) dst(%dma_wait3A_86 : memref<32x512xf32, #tpu.memory_space<hbm>>)
    %dma_wait3A_87 = arith.constant 448 : i32
    %dma_wait3A_88 = arith.constant 1024 : i32
    %dma_wait3A_89 = tpu.memref_slice %arg5[%add3A_71, %dma_wait3A_87, %dma_wait3A_88] : memref<64x512x1728xf32, #tpu.memory_space<hbm>> -> memref<1x32x512xf32, #tpu.memory_space<hbm>>
    %dma_wait3A_90 = tpu.memref_squeeze %dma_wait3A_89 : memref<1x32x512xf32, #tpu.memory_space<hbm>> -> memref<32x512xf32, #tpu.memory_space<hbm>>
    %dma_wait3A_91 = arith.constant 448 : i32
    %dma_wait3A_92 = arith.constant 1024 : i32
    %dma_wait3A_93 = tpu.memref_slice %arg5[%add3A_71, %dma_wait3A_91, %dma_wait3A_92] : memref<64x512x1728xf32, #tpu.memory_space<hbm>> -> memref<1x32x512xf32, #tpu.memory_space<hbm>>
    %dma_wait3A_94 = tpu.memref_squeeze %dma_wait3A_93 : memref<1x32x512xf32, #tpu.memory_space<hbm>> -> memref<32x512xf32, #tpu.memory_space<hbm>>
    tpu.wait_dma2 semaphore(%arg20 : memref<!tpu.dma_semaphore, #tpu.memory_space<semaphore_mem>>) src(%arg10 : memref<32x512xf32, #tpu.memory_space<vmem>>) dst(%dma_wait3A_94 : memref<32x512xf32, #tpu.memory_space<hbm>>)
    %dma_wait3A_95 = arith.constant 448 : i32
    %dma_wait3A_96 = arith.constant 1536 : i32
    %dma_wait3A_97 = tpu.memref_slice %arg5[%add3A_71, %dma_wait3A_95, %dma_wait3A_96] : memref<64x512x1728xf32, #tpu.memory_space<hbm>> -> memref<1x32x128xf32, #tpu.memory_space<hbm>>
    %dma_wait3A_98 = tpu.memref_squeeze %dma_wait3A_97 : memref<1x32x128xf32, #tpu.memory_space<hbm>> -> memref<32x128xf32, #tpu.memory_space<hbm>>
    %dma_wait3A_99 = arith.constant 448 : i32
    %dma_wait3A_100 = arith.constant 1536 : i32
    %dma_wait3A_101 = tpu.memref_slice %arg5[%add3A_71, %dma_wait3A_99, %dma_wait3A_100] : memref<64x512x1728xf32, #tpu.memory_space<hbm>> -> memref<1x32x128xf32, #tpu.memory_space<hbm>>
    %dma_wait3A_102 = tpu.memref_squeeze %dma_wait3A_101 : memref<1x32x128xf32, #tpu.memory_space<hbm>> -> memref<32x128xf32, #tpu.memory_space<hbm>>
    tpu.wait_dma2 semaphore(%arg20 : memref<!tpu.dma_semaphore, #tpu.memory_space<semaphore_mem>>) src(%arg11 : memref<32x128xf32, #tpu.memory_space<vmem>>) dst(%dma_wait3A_102 : memref<32x128xf32, #tpu.memory_space<hbm>>)
    %dma_wait3A_103 = arith.constant 448 : i32
    %dma_wait3A_104 = arith.constant 0 : i32
    %dma_wait3A_105 = tpu.memref_slice %arg6[%add3A_71, %dma_wait3A_103, %dma_wait3A_104] : memref<64x512x128xf32, #tpu.memory_space<hbm>> -> memref<1x32x128xf32, #tpu.memory_space<hbm>>
    %dma_wait3A_106 = tpu.memref_squeeze %dma_wait3A_105 : memref<1x32x128xf32, #tpu.memory_space<hbm>> -> memref<32x128xf32, #tpu.memory_space<hbm>>
    %dma_wait3A_107 = arith.constant 448 : i32
    %dma_wait3A_108 = arith.constant 0 : i32
    %dma_wait3A_109 = tpu.memref_slice %arg6[%add3A_71, %dma_wait3A_107, %dma_wait3A_108] : memref<64x512x128xf32, #tpu.memory_space<hbm>> -> memref<1x32x128xf32, #tpu.memory_space<hbm>>
    %dma_wait3A_110 = tpu.memref_squeeze %dma_wait3A_109 : memref<1x32x128xf32, #tpu.memory_space<hbm>> -> memref<32x128xf32, #tpu.memory_space<hbm>>
    tpu.wait_dma2 semaphore(%arg20 : memref<!tpu.dma_semaphore, #tpu.memory_space<semaphore_mem>>) src(%arg12 : memref<32x128xf32, #tpu.memory_space<vmem>>) dst(%dma_wait3A_110 : memref<32x128xf32, #tpu.memory_space<hbm>>)
    %add3A_111 = arith.constant 1 : i32
    %add3A_112 = arith.addi %mul3A_2, %add3A_111 : i32
    %dma_wait3A_113 = arith.constant 480 : i32
    %dma_wait3A_114 = arith.constant 0 : i32
    %dma_wait3A_115 = tpu.memref_slice %arg5[%add3A_112, %dma_wait3A_113, %dma_wait3A_114] : memref<64x512x1728xf32, #tpu.memory_space<hbm>> -> memref<1x32x512xf32, #tpu.memory_space<hbm>>
    %dma_wait3A_116 = tpu.memref_squeeze %dma_wait3A_115 : memref<1x32x512xf32, #tpu.memory_space<hbm>> -> memref<32x512xf32, #tpu.memory_space<hbm>>
    %dma_wait3A_117 = arith.constant 480 : i32
    %dma_wait3A_118 = arith.constant 0 : i32
    %dma_wait3A_119 = tpu.memref_slice %arg5[%add3A_112, %dma_wait3A_117, %dma_wait3A_118] : memref<64x512x1728xf32, #tpu.memory_space<hbm>> -> memref<1x32x512xf32, #tpu.memory_space<hbm>>
    %dma_wait3A_120 = tpu.memref_squeeze %dma_wait3A_119 : memref<1x32x512xf32, #tpu.memory_space<hbm>> -> memref<32x512xf32, #tpu.memory_space<hbm>>
    tpu.wait_dma2 semaphore(%arg21 : memref<!tpu.dma_semaphore, #tpu.memory_space<semaphore_mem>>) src(%arg13 : memref<32x512xf32, #tpu.memory_space<vmem>>) dst(%dma_wait3A_120 : memref<32x512xf32, #tpu.memory_space<hbm>>)
    %dma_wait3A_121 = arith.constant 480 : i32
    %dma_wait3A_122 = arith.constant 512 : i32
    %dma_wait3A_123 = tpu.memref_slice %arg5[%add3A_112, %dma_wait3A_121, %dma_wait3A_122] : memref<64x512x1728xf32, #tpu.memory_space<hbm>> -> memref<1x32x512xf32, #tpu.memory_space<hbm>>
    %dma_wait3A_124 = tpu.memref_squeeze %dma_wait3A_123 : memref<1x32x512xf32, #tpu.memory_space<hbm>> -> memref<32x512xf32, #tpu.memory_space<hbm>>
    %dma_wait3A_125 = arith.constant 480 : i32
    %dma_wait3A_126 = arith.constant 512 : i32
    %dma_wait3A_127 = tpu.memref_slice %arg5[%add3A_112, %dma_wait3A_125, %dma_wait3A_126] : memref<64x512x1728xf32, #tpu.memory_space<hbm>> -> memref<1x32x512xf32, #tpu.memory_space<hbm>>
    %dma_wait3A_128 = tpu.memref_squeeze %dma_wait3A_127 : memref<1x32x512xf32, #tpu.memory_space<hbm>> -> memref<32x512xf32, #tpu.memory_space<hbm>>
    tpu.wait_dma2 semaphore(%arg21 : memref<!tpu.dma_semaphore, #tpu.memory_space<semaphore_mem>>) src(%arg14 : memref<32x512xf32, #tpu.memory_space<vmem>>) dst(%dma_wait3A_128 : memref<32x512xf32, #tpu.memory_space<hbm>>)
    %dma_wait3A_129 = arith.constant 480 : i32
    %dma_wait3A_130 = arith.constant 1024 : i32
    %dma_wait3A_131 = tpu.memref_slice %arg5[%add3A_112, %dma_wait3A_129, %dma_wait3A_130] : memref<64x512x1728xf32, #tpu.memory_space<hbm>> -> memref<1x32x512xf32, #tpu.memory_space<hbm>>
    %dma_wait3A_132 = tpu.memref_squeeze %dma_wait3A_131 : memref<1x32x512xf32, #tpu.memory_space<hbm>> -> memref<32x512xf32, #tpu.memory_space<hbm>>
    %dma_wait3A_133 = arith.constant 480 : i32
    %dma_wait3A_134 = arith.constant 1024 : i32
    %dma_wait3A_135 = tpu.memref_slice %arg5[%add3A_112, %dma_wait3A_133, %dma_wait3A_134] : memref<64x512x1728xf32, #tpu.memory_space<hbm>> -> memref<1x32x512xf32, #tpu.memory_space<hbm>>
    %dma_wait3A_136 = tpu.memref_squeeze %dma_wait3A_135 : memref<1x32x512xf32, #tpu.memory_space<hbm>> -> memref<32x512xf32, #tpu.memory_space<hbm>>
    tpu.wait_dma2 semaphore(%arg21 : memref<!tpu.dma_semaphore, #tpu.memory_space<semaphore_mem>>) src(%arg15 : memref<32x512xf32, #tpu.memory_space<vmem>>) dst(%dma_wait3A_136 : memref<32x512xf32, #tpu.memory_space<hbm>>)
    %dma_wait3A_137 = arith.constant 480 : i32
    %dma_wait3A_138 = arith.constant 1536 : i32
    %dma_wait3A_139 = tpu.memref_slice %arg5[%add3A_112, %dma_wait3A_137, %dma_wait3A_138] : memref<64x512x1728xf32, #tpu.memory_space<hbm>> -> memref<1x32x128xf32, #tpu.memory_space<hbm>>
    %dma_wait3A_140 = tpu.memref_squeeze %dma_wait3A_139 : memref<1x32x128xf32, #tpu.memory_space<hbm>> -> memref<32x128xf32, #tpu.memory_space<hbm>>
    %dma_wait3A_141 = arith.constant 480 : i32
    %dma_wait3A_142 = arith.constant 1536 : i32
    %dma_wait3A_143 = tpu.memref_slice %arg5[%add3A_112, %dma_wait3A_141, %dma_wait3A_142] : memref<64x512x1728xf32, #tpu.memory_space<hbm>> -> memref<1x32x128xf32, #tpu.memory_space<hbm>>
    %dma_wait3A_144 = tpu.memref_squeeze %dma_wait3A_143 : memref<1x32x128xf32, #tpu.memory_space<hbm>> -> memref<32x128xf32, #tpu.memory_space<hbm>>
    tpu.wait_dma2 semaphore(%arg21 : memref<!tpu.dma_semaphore, #tpu.memory_space<semaphore_mem>>) src(%arg16 : memref<32x128xf32, #tpu.memory_space<vmem>>) dst(%dma_wait3A_144 : memref<32x128xf32, #tpu.memory_space<hbm>>)
    %dma_wait3A_145 = arith.constant 480 : i32
    %dma_wait3A_146 = arith.constant 0 : i32
    %dma_wait3A_147 = tpu.memref_slice %arg6[%add3A_112, %dma_wait3A_145, %dma_wait3A_146] : memref<64x512x128xf32, #tpu.memory_space<hbm>> -> memref<1x32x128xf32, #tpu.memory_space<hbm>>
    %dma_wait3A_148 = tpu.memref_squeeze %dma_wait3A_147 : memref<1x32x128xf32, #tpu.memory_space<hbm>> -> memref<32x128xf32, #tpu.memory_space<hbm>>
    %dma_wait3A_149 = arith.constant 480 : i32
    %dma_wait3A_150 = arith.constant 0 : i32
    %dma_wait3A_151 = tpu.memref_slice %arg6[%add3A_112, %dma_wait3A_149, %dma_wait3A_150] : memref<64x512x128xf32, #tpu.memory_space<hbm>> -> memref<1x32x128xf32, #tpu.memory_space<hbm>>
    %dma_wait3A_152 = tpu.memref_squeeze %dma_wait3A_151 : memref<1x32x128xf32, #tpu.memory_space<hbm>> -> memref<32x128xf32, #tpu.memory_space<hbm>>
    tpu.wait_dma2 semaphore(%arg21 : memref<!tpu.dma_semaphore, #tpu.memory_space<semaphore_mem>>) src(%arg17 : memref<32x128xf32, #tpu.memory_space<vmem>>) dst(%dma_wait3A_152 : memref<32x128xf32, #tpu.memory_space<hbm>>)
    return
  }
}

</mosaic_0001>

<sc_bundles>
// kernel: kernel.3.cloned.1.call-start
scs
__scs_entry_jumppad:
0x0: {  	(pc) =	sbr.rel $0x88, $3  }
0x1: {  	(tag) =	ssettag $0x0;
	lr =	simm.s32 $0x1  }
0x2: {  	[smem:$0x3F9F] =	sst lr;
	_ =	strace $0xD0000000  }
0x3: {  	_ = 	snop  }
0x4: {  	_ = 	snop  }
0x5: {  	_ = 	snop  }
0x6: {  	_ = 	snop  }
0x7: {  	_ = 	snop  }
__scs_overlays_trampoline_lowered:
0x8: {  	[smem:$0x3FAE] =	sst s0  }
0x9: {  	[smem:$0x3FAF] =	sst s1  }
0xa: {  	[smem:$0x3FB0] =	sst s2  }
0xb: {  	[smem:$0x3FB1] =	sst s3  }
0xc: {  	[smem:$0x3FB2] =	sst s4  }
0xd: {  	[smem:$0x3FB3] =	sst s5  }
0xe: {  	[smem:$0x3FB4] =	sst s6  }
0xf: {  	[smem:$0x3FB5] =	sst s7  }
0x10: {  	[smem:$0x3FB6] =	sst s8  }
0x11: {  	[smem:$0x3FB7] =	sst s9;
	s0 =	simm.s32 @!p0 $0x0  }
0x12: {  	s1 =	sld [smem:$0x3F9D];
	s0 =	simm.s32 @p0 $0x1  }
0x13: {  	[smem:$0x3FB8] =	sst s0;
	s0 =	simm.s32 @!p1 $0x0  }
0x14: {  	s2 =	sld [smem:$0x3F9C];
	s0 =	simm.s32 @p1 $0x1  }
0x15: {  	[smem:$0x3FB9] =	sst s0;
	s0 =	simm.s32 @!p2 $0x0  }
0x16: {  	s3 =	sld [smem:$0x3FDB];
	s0 =	simm.s32 @p2 $0x1  }
0x17: {  	s4 =	simm.s32 $0x1BF5;
	[smem:$0x3FBB] =	sst s0  }
0x18: {  	s0 =	sld [smem:$0x3F9E];
	_ =	swait.ge [sflag:s4], $0x0  }
0x19: {  	s7 =	sld [smem:$0x3F9F]  }
0x1a: {  	s8 =	sadd.s32 $0xFFFFE003, lr  }
0x1b: {  	s9 =	sadd.s32 $0xFFFFFEF7, lr;
	s5 =	simm.s32 $0xFFFFFFFF;
	p2 =	slt.u32 s8, $0xFFFFF086  }
0x1c: {  	p1 =	slt.u32 s9, $0xF7A;
	s5 =	simm.s32 @!p2 $0x0  }
0x1d: {  	s5 =	simm.s32 @p1 $0x1;
	p0 =	seq.s32 s7, s2  }
0x1e: {  	s7 =	smul.u32 @!p0 $0xF7A, s2;
	p2 =	seq.s32 @!p0 s5, $0x0  }
0x1f: {  	s9 =	smul.u32 $0xF7A, s1;
	s8 =	simm.s32 @!p0 $0x1BF5;
	p2 =	por !p2, p0  }
0x20: {  	[sflag:s8] =	ssyncset.s32 @!p0 $0xFFFFF086;
	s6 =	sadd.s32 @!p0 s3, s7;
	s7 =	simm.s32 @!p0 $0x108  }
0x21: {  	s3 =	sadd.s32 s3, s9;
	s6 =	sadd.s32 @!p0 $0x88, s6;
	s7 =	simm.s32 @p2 $0x1082  }
0x22: {  	[simem:s7], [sflag:s8] =	dma.local @!p0 [hbm:s6], $0xF7A  }
0x23: {  	s9 =	sor.u32 $0xD0000000, s2;
	s6 =	simm.s32 $0x108;
	_ =	swait.ge @!p0 [sflag:s8], $0x0  }
0x24: {  	s3 =	sadd.s32 $0x88, s3;
	s6 =	simm.s32 @!p1 $0x1082;
	[sflag:s4] =	ssyncset.s32 $0xFFFFF086  }
0x25: {  	[simem:s6], [sflag:s4] =	dma.local [hbm:s3], $0xF7A  }
0x26: {  	[smem:$0x3F9F] =	sst s1;
	(tag) =	ssettag s2;
	_ =	strace s9  }
0x27: {  	s1 =	sld [smem:$0x3FAF]  }
0x28: {  	s2 =	sld [smem:$0x3FB0]  }
0x29: {  	s4 =	sld [smem:$0x3FB2]  }
0x2a: {  	p0 =	seq.s32 s5, $0x0;
	s5 =	sld [smem:$0x3FB3]  }
0x2b: {  	s6 =	sld [smem:$0x3FB4]  }
0x2c: {  	s7 =	sld [smem:$0x3FB5]  }
0x2d: {  	s3 =	simm.s32 $0x108;
	s8 =	sld [smem:$0x3FB6]  }
0x2e: {  	s3 =	simm.s32 @!p0 $0x1082;
	s9 =	sld [smem:$0x3FB7]  }
0x2f: {  	lr =	sadd.s32 s0, s3;
	s0 =	sld [smem:$0x3FAE]  }
0x30: {  	s3 =	sld [smem:$0x3FB1]  }
0x31: {  	[smem:$0x3FBA] =	sst s10  }
0x32: {  	s10 =	sld [smem:$0x3FB8];
	_ =	sdelay $0x3  }
0x33: {  	p0 =	seq.s32 s10, $0x1;
	s10 =	sld [smem:$0x3FBA];
	_ =	sdelay $0x3  }
0x34: {  	[smem:$0x3FBA] =	sst s10  }
0x35: {  	s10 =	sld [smem:$0x3FB9];
	_ =	sdelay $0x3  }
0x36: {  	p1 =	seq.s32 s10, $0x1;
	s10 =	sld [smem:$0x3FBA];
	_ =	sdelay $0x3  }
0x37: {  	[smem:$0x3FBA] =	sst s10  }
0x38: {  	s10 =	sld [smem:$0x3FBB]  }
0x39: {  	_ = 	snop;
	(pc) =	sbr.ind lr, $3  }
0x3a: {  	_ = 	snop  }
0x3b: {  	_ = 	snop  }
0x3c: {  	p2 =	seq.s32 s10, $0x1;
	s10 =	sld [smem:$0x3FBA]  }
0x3d: {  	_ =	shalt  }
0x3e: {  	_ =	shalt  }
0x3f: {  	_ =	shalt  }
0x40: {  	_ =	shalt  }
0x41: {  	_ =	shalt  }
0x42: {  	_ =	shalt  }
0x43: {  	_ =	shalt  }
0x44: {  	_ =	shalt  }
0x45: {  	_ =	shalt  }
0x46: {  	_ =	shalt  }
0x47: {  	_ =	shalt  }
0x48: {  	_ =	shalt  }
0x49: {  	_ =	shalt  }
0x4a: {  	_ =	shalt  }
0x4b: {  	_ =	shalt  }
0x4c: {  	_ =	shalt  }
0x4d: {  	_ =	shalt  }
0x4e: {  	_ =	shalt  }
0x4f: {  	_ =	shalt  }
0x50: {  	_ =	shalt  }
0x51: {  	_ =	shalt  }
0x52: {  	_ =	shalt  }
0x53: {  	_ =	shalt  }
0x54: {  	_ =	shalt  }
0x55: {  	_ =	shalt  }
0x56: {  	_ =	shalt  }
0x57: {  	_ =	shalt  }
0x58: {  	_ =	shalt  }
0x59: {  	_ =	shalt  }
0x5a: {  	_ =	shalt  }
0x5b: {  	_ =	shalt  }
0x5c: {  	_ =	shalt  }
0x5d: {  	_ =	shalt  }
0x5e: {  	_ =	shalt  }
0x5f: {  	_ =	shalt  }
0x60: {  	_ =	shalt  }
0x61: {  	_ =	shalt  }
0x62: {  	_ =	shalt  }
0x63: {  	_ =	shalt  }
0x64: {  	_ =	shalt  }
0x65: {  	_ =	shalt  }
0x66: {  	_ =	shalt  }
0x67: {  	_ =	shalt  }
0x68: {  	_ =	shalt  }
0x69: {  	_ =	shalt  }
0x6a: {  	_ =	shalt  }
0x6b: {  	_ =	shalt  }
0x6c: {  	_ =	shalt  }
0x6d: {  	_ =	shalt  }
0x6e: {  	_ =	shalt  }
0x6f: {  	_ =	shalt  }
0x70: {  	_ =	shalt  }
0x71: {  	_ =	shalt  }
0x72: {  	_ =	shalt  }
0x73: {  	_ =	shalt  }
0x74: {  	_ =	shalt  }
0x75: {  	_ =	shalt  }
0x76: {  	_ =	shalt  }
0x77: {  	_ =	shalt  }
0x78: {  	_ =	shalt  }
0x79: {  	_ =	shalt  }
0x7a: {  	_ =	shalt  }
0x7b: {  	_ =	shalt  }
0x7c: {  	_ =	shalt  }
0x7d: {  	_ =	shalt  }
0x7e: {  	_ =	shalt  }
0x7f: {  	_ =	shalt  }
0x80: {  	_ =	shalt  }
0x81: {  	_ =	shalt  }
0x82: {  	_ =	shalt  }
0x83: {  	_ =	shalt  }
0x84: {  	_ =	shalt  }
0x85: {  	_ =	shalt  }
0x86: {  	_ =	shalt  }
0x87: {  	_ =	shalt  }
.Lfunc_end0:
.L_simem_size_0:
called_computation.1_lowered:
.L_overlay_start_0:
0x88: {  	s2 =	sld [smem:$0x3FD9]  }
0x89: {  	s3 =	sld [smem:$0x3FFE];
	_ =	sdelay $0x1  }
0x8a: {  	s1 =	srdreg.scid  }
0x8b: {  	s0 =	sand.u32 $0x1, s1  }
0x8c: {  	s17 =	sshll.u32 s0, $0xA;
	s2 =	sadd.s32 s3, s2  }
0x8d: {  	s2 =	sadd.s32 s2, s17  }
0x8e: {  	[smem:$0x3FC6] =	sst s2  }
0x8f: {  	_ = 	snop  }
0x90: {  	s2 =	sld [smem:$0x3FC9]  }
0x91: {  	s18 =	sld [smem:$0x3FD0];
	(tm) =	ssettm $0x1  }
0x92: {  	s4 =	sld [smem:$0x3FFB];
	_ =	sdelay $0x3  }
0x93: {  	_ =	strace s4  }
0x94: {  	s4 =	sld [smem:$0x3FFC];
	_ =	sdelay $0x3  }
0x95: {  	_ =	strace s4  }
0x96: {  	s4 =	sld [smem:$0x3FFD];
	_ =	sdelay $0x3  }
0x97: {  	_ =	strace s4  }
0x98: {  	_ =	strace $0x8FFFFFFF  }
0x99: {  	s19 =	sld [smem:$0x3FDB];
	_ =	sdelay $0x1  }
0x9a: {  	s5 =	simm.s32 $_scs_section_size  }
0x9b: {  	s6 =	simm.s32 $_size__tile_overlayer_lowered;
	s7 =	simm.s32 $_tile_overlayer_lowered  }
0x9c: {  	s22 =	simm.s32 $0x1BFF;
	s21 =	sshll.u32 s7, $0x1;
	s4 =	sadd.s32 s5, s19  }
0x9d: {  	s8 =	simm.s32 $0x0;
	s20 =	sshll.u32 s6, $0x1;
	s6 =	sadd.s32 s21, s4  }
0x9e: {  	[timem:s8], [sflag:s22] =	dma.local [hbm:s6], s20  }
0x9f: {  	_ =	swait.ge [sflag:s22], s20  }
0xa0: {  	s5 =	ssub.s32 $0x0, s20;
	[sflag:s22] =	ssyncset.done $0x0  }
0xa1: {  	[sflag:s22] =	ssyncadd.s32 s5;
	_ =	sdelay $0x1  }
0xa2: {  	s23 =	simm.s32 $0x1B8B  }
0xa3: {  	_ =	swait.ge [sflag:s23], $0x1  }
0xa4: {  	[sflag:s23] =	ssyncset.done $0x0  }
0xa5: {  	s25 =	simm.s32 $0x1B8E;
	s24 =	sld [smem:$0x3FFE];
	[sflag:s23] =	ssyncadd.s32 $0xFFFFFFFF  }
0xa6: {  	s26 =	simm.s32 $execute0_lowered;
	[smem:$0x3FD2] =	sst s25  }
0xa7: {  	s6 =	sshll.u32 s26, $0x1;
	_ =	strace $0x80000046;
	[dreg:$0x1] =	wrdreg $0xFFFFFFFF  }
0xa8: {  	s28 =	simm.s32 $_size_execute0_lowered;
	s4 =	sadd.s32 s4, s6;
	[dreg:$0x0] =	wrdreg $0x0  }
0xa9: {  	s6 =	sshll.u32 s28, $0x1;
	[dreg:$0x2] =	wrdreg s4  }
0xaa: {  	[dreg:$0x3] =	wrdreg s6  }
0xab: {  	[dreg:$0x4] =	wrdreg $0xC0  }
0xac: {  	_ =	task [dreg:s8], $0x5FFFF  }
0xad: {  	[dreg:$0x1] =	wrdreg $0xFFFFFFFF  }
0xae: {  	[dreg:$0x0] =	wrdreg $0x60  }
0xaf: {  	[dreg:$0x2] =	wrdreg s2  }
0xb0: {  	[dreg:$0x3] =	wrdreg s18  }
0xb1: {  	[dreg:$0x4] =	wrdreg s24  }
0xb2: {  	[dreg:$0x5] =	wrdreg $0x9  }
0xb3: {  	_ =	task.clear_ibuf [dreg:s8], $0x6FFFF;
	_ =	strace $0x90000046  }
0xb4: {  	s29 =	simm.s32 $0x9;
	_ =	strace $0x80000048  }
0xb5: {  	_ =	swait.ge [sflag:s29], $0x1  }
0xb6: {  	[sflag:s29] =	ssyncadd.s32 $0xFFFFFFFF  }
0xb7: {  	_ =	strace $0x90000048  }
0xb8: {  	_ =	sfence  }
0xb9: {  	s30 =	sld [smem:$0x0];
	_ =	sdelay $0x2  }
0xba: {  	s31 =	sshll.u32 s1, $0xD;
	s1 =	sshrl.u32 s1, $0x2  }
0xbb: {  	s3 =	sand.u32 $0x4000, s31;
	s1 =	sadd.s32 s1, s30  }
0xbc: {  	s0 =	sor.u32 s3, s0;
	s1 =	sshll.u32 s1, $0x11  }
0xbd: {  	s0 =	sor.u32 s1, s0  }
0xbe: {  	s0 =	sadd.s32 $0x8F2B, s0  }
0xbf: {  	[sflag:s0] =	ssyncadd.remote.s32 $0x1  }
0xc0: {  	_ =	sfence.sel $0xFFFF  }
0xc1: {  	[dreg:$0x0] =	wrdreg $0xFFFFFFFF;
	(pc) =	sbr.abs _section_cstart, $3  }
0xc2: {  	[dreg:$0x1] =	wrdreg $0xFFFFFFFF  }
0xc3: {  	_ =	task.clear_ibuf [dreg:s8], $0x2FFFF;
	_ =	strace $0x9FFFFFFF  }
0xc4: {  	(tm) =	ssettm $0x7FFFFFFF  }
0xc5: {  	_ =	shalt  }
tec
execute0_lowered:
.L_overlay_start_1:
0x0: {  	(tag) =	ssettag $0x1  }
0x1: {  	s0 =	rddreg [dreg:$0x0]  }
0x2: {  	s1 =	rddreg [dreg:$0x1]  }
0x3: {  	s3 =	rddreg [dreg:$0x2];
	s2 =	simm.s32 $0x0;
	s7 =	srdreg.scid  }
0x4: {  	s11 =	stileid.u32;
	s20 =	simm.s32 $0x1000;
	s31 =	simm.s32 $0x1  }
0x5: {  	s19 =	simm.s32 $0xF000;
	s18 =	simm.s32 $0x3;
	[smem:$0x7FF] =	sst s2  }
0x6: {  	s4 =	sadd.s32 $0xC00, s3;
	s5 =	sadd.s32 $0x5BA00, s3;
	s6 =	sadd.s32 $0x75BA00, s3  }
0x7: {  	s7 =	sand.u32 $0x1, s7;
	s9 =	sshll.u32 s11, $0x2;
	s23 =	sshll.u32 s11, $0x8  }
0x8: {  	s11 =	sadd.s32 $0x100, s1;
	s13 =	sadd.s32 $0x400, s1;
	s14 =	sadd.s32 $0x600, s1  }
0x9: {  	s28 =	sadd.s32 $0x5BE00, s3;
	_ =	strace $0x80000047;
	[dreg:$0xa] =	wrdreg s4  }
0xa: {  	v6 =	vlaneseq.u32;
	v1 =	vimm.s32 $0x7;
	v3 =	vimm.s32 $0x3;
	s15 =	sadd.s32 $0x5BC00, s3;
	s29 =	sadd.s32 $0x5C000, s3;
	[dreg:$0x7] =	wrdreg s28  }
0xb: {  	vm0 =	vmmov $0xffff;
	v5 =	vimm.s32 $0x0;
	vm1 =	vmmov $0x1;
	s8 =	ssub.s32 $0x2, s7;
	s7 =	sshll.u32 s7, $0x1;
	[dreg:$0x8] =	wrdreg s29  }
0xc: {  	v7 =	vimm.s32 $0x1;
	v8 =	vimm.s32 $0x2;
	v9 =	vimm.s32 $0x4;
	s10 =	sshrl.u32 s8, $0x1;
	s12 =	sor.u32 s7, s9;
	s7 =	sand.u32 $0xE00, s23  }
.Ltmp0:
0xd: {  	v10 =	vimm.s32 $0x5;
	v11 =	vimm.s32 $0x6;
	v12 =	vimm.s32 $0x8;
	s24 =	ssub.s32 s8, s10;
	[dreg:$0x4] =	wrdreg s12;
	(pc) =	sbr.rel .LBB2_1-.Ltmp0, $4  }
0xe: {  	v13 =	vimm.s32 $0x9;
	v14 =	vimm.s32 $0xA;
	v15 =	vimm.s32 $0xB;
	s25 =	sand.u32 $0x6, s12;
	s0 =	sadd.s32 s0, s7;
	s12 =	sadd.s32 $0x200, s1  }
0xf: {  	v16 =	vimm.s32 $0xC;
	v17 =	vimm.s32 $0xD;
	v18 =	vimm.s32 $0xE;
	s10 =	simm.s32 $0x2;
	[dreg:$0x5] =	wrdreg s0;
	s26 =	sshll.u32 s25, $0x7  }
0x10: {  	v19 =	vimm.s32 $0xF;
	v0 =	vand.u32 $0x7, v6;
	v2 =	vshrl.u32 v6, $0x3;
	s7 =	simm.s32 $0x0;
	s30 =	smax.u32 s24, $0x1;
	[dreg:$0x6] =	wrdreg s26  }
0x11: {  	v4 =	vor.u32 $0x8, v6;
	v6 =	vmul.u32 $0x8, v6;
	v2 =	vmul.u32 $0x8, v2;
	s4 =	smov.u32 s25;
	s25 =	simm.s32 $0x3800;
	[dreg:$0x9] =	wrdreg s30  }
.LBB2_5:
0x12: {  	_ =	swait.ge [sflag:s18], $0x4000  }
0x13: {  	[sflag:s18] =	ssyncset.done $0x0  }
0x14: {  	[sflag:s18] =	ssyncadd.s32 $0xFFFFC000  }
0x15: {  	_ =	swait.ge [sflag:s18], $0x4000  }
0x16: {  	[sflag:s18] =	ssyncset.done $0x0  }
0x17: {  	[sflag:s18] =	ssyncadd.s32 $0xFFFFC000  }
0x18: {  	_ =	swait.ge [sflag:s18], $0x4000  }
0x19: {  	[sflag:s18] =	ssyncset.done $0x0  }
0x1a: {  	[sflag:s18] =	ssyncadd.s32 $0xFFFFC000  }
0x1b: {  	_ =	swait.ge [sflag:s18], $0x1000  }
0x1c: {  	[sflag:s18] =	ssyncset.done $0x0  }
0x1d: {  	[sflag:s18] =	ssyncadd.s32 $0xFFFFF000  }
0x1e: {  	_ =	swait.ge [sflag:s18], $0x1000  }
0x1f: {  	[sflag:s18] =	ssyncset.done $0x0  }
0x20: {  	s3 =	simm.s32 $0x4;
	[sflag:s18] =	ssyncadd.s32 $0xFFFFF000  }
0x21: {  	_ =	swait.ge [sflag:s3], $0x4000  }
0x22: {  	[sflag:s3] =	ssyncset.done $0x0  }
0x23: {  	[sflag:s3] =	ssyncadd.s32 $0xFFFFC000  }
0x24: {  	_ =	swait.ge [sflag:s3], $0x4000  }
0x25: {  	[sflag:s3] =	ssyncset.done $0x0  }
0x26: {  	[sflag:s3] =	ssyncadd.s32 $0xFFFFC000  }
0x27: {  	_ =	swait.ge [sflag:s3], $0x4000  }
0x28: {  	[sflag:s3] =	ssyncset.done $0x0  }
0x29: {  	[sflag:s3] =	ssyncadd.s32 $0xFFFFC000  }
0x2a: {  	_ =	swait.ge [sflag:s3], $0x1000  }
0x2b: {  	[sflag:s3] =	ssyncset.done $0x0  }
0x2c: {  	[sflag:s3] =	ssyncadd.s32 $0xFFFFF000  }
0x2d: {  	_ =	swait.ge [sflag:s3], $0x1000  }
0x2e: {  	s7 =	rddreg [dreg:$0xb]  }
0x2f: {  	s0 =	rddreg [dreg:$0x9];
	s7 =	sadd.s32 $0x1, s7  }
0x30: {  	p0 =	sne.s32 s7, s0  }
.Ltmp1:
0x31: {  	_ = 	snop;
	(pc) =	sbr.rel @!p0 .LBB2_6-.Ltmp1, $3  }
0x32: {  	_ =	sdelay $0x1  }
0x33: {  	[sflag:s3] =	ssyncset.done $0x0  }
0x34: {  	[sflag:s3] =	ssyncadd.s32 $0xFFFFF000  }
.LBB2_1:
0x35: {  	[dreg:$0xb] =	wrdreg s7  }
0x36: {  	s0 =	rddreg [dreg:$0x5];
	s24 =	simm.s32 $0x5  }
0x37: {  	[tilespmem:s2], [sflag:$0x5] =	stream.linear.gather [hbm4b:s0+s2], $0x1000, $0x38;
	[tilespmem:$0x1D000] =	vst v63  }
0x38: {  	_ =	swait.ge [sflag:s24], $0x1000  }
0x39: {  	[sflag:s24] =	ssyncset.done $0x0  }
0x3a: {  	s0 =	rddreg [dreg:$0x6];
	[sflag:s24] =	ssyncadd.s32 $0xFFFFF000  }
0x3b: {  	v20 =	vld [tilespmem:s0+$0x0];
	_ =	sdelay $0x4  }
0x3c: {  	v21 =	vshrl.u32 v20, $0x3  }
0x3d: {  	v21 =	vmul.u32 $0x70, v21  }
0x3e: {  	v20 =	vand.u32 $0x7, v20  }
0x3f: {  	v20 =	vor.u32 v20, v21  }
0x40: {  	v21 =	vperm.xlane v20, v0;
	_ =	sdelay $0x1  }
0x41: {  	v21 =	vadd.s32 v2, v21;
	_ =	sdelay $0x1  }
0x42: {  	v20 =	vperm.xlane v20, v4;
	_ =	sdelay $0x1  }
0x43: {  	v20 =	vadd.s32 v2, v20  }
0x44: {  	[tilespmem:s20], [sflag:$0x1] =	stream.indirect_vreg.gather [hbm4b:s1+s2], $0x80, v21, vm0, $0xb8;
	[tilespmem:$0x1D000] =	vst v63  }
0x45: {  	s3 =	simm.s32 $0x1800  }
0x46: {  	[tilespmem:s3], [sflag:$0x1] =	stream.indirect_vreg.gather [hbm4b:s11+s2], $0x80, v21, vm0, $0xb8;
	[tilespmem:$0x1D000] =	vst v63  }
0x47: {  	s26 =	simm.s32 $0x2000  }
0x48: {  	[tilespmem:s26], [sflag:$0x1] =	stream.indirect_vreg.gather [hbm4b:s1+s2], $0x80, v20, vm0, $0xb8;
	[tilespmem:$0x1D000] =	vst v63  }
0x49: {  	s7 =	simm.s32 $0x2800  }
0x4a: {  	[tilespmem:s7], [sflag:$0x1] =	stream.indirect_vreg.gather [hbm4b:s11+s2], $0x80, v20, vm0, $0xb8;
	[tilespmem:$0x1D000] =	vst v63  }
0x4b: {  	v20 =	vld [tilespmem:s0+$0x10];
	_ =	sdelay $0x4  }
0x4c: {  	v44 =	vshrl.u32 v20, $0x3  }
0x4d: {  	v21 =	vmul.u32 $0x70, v44  }
0x4e: {  	v20 =	vand.u32 $0x7, v20  }
0x4f: {  	v20 =	vor.u32 v20, v21  }
0x50: {  	v21 =	vperm.xlane v20, v0;
	_ =	sdelay $0x1  }
0x51: {  	v21 =	vadd.s32 v2, v21;
	_ =	sdelay $0x1  }
0x52: {  	v20 =	vperm.xlane v20, v4;
	_ =	sdelay $0x1  }
0x53: {  	s8 =	simm.s32 $0x3000;
	v20 =	vadd.s32 v2, v20  }
0x54: {  	[tilespmem:s8], [sflag:$0x1] =	stream.indirect_vreg.gather [hbm4b:s1+s2], $0x80, v21, vm0, $0xb8;
	[tilespmem:$0x1D000] =	vst v63  }
0x55: {  	_ = 	snop  }
0x56: {  	[tilespmem:s25], [sflag:$0x1] =	stream.indirect_vreg.gather [hbm4b:s11+s2], $0x80, v21, vm0, $0xb8;
	[tilespmem:$0x1D000] =	vst v63  }
0x57: {  	s9 =	simm.s32 $0x4000  }
0x58: {  	[tilespmem:s9], [sflag:$0x1] =	stream.indirect_vreg.gather [hbm4b:s1+s2], $0x80, v20, vm0, $0xb8;
	[tilespmem:$0x1D000] =	vst v63  }
0x59: {  	s16 =	simm.s32 $0x4800  }
0x5a: {  	[tilespmem:s16], [sflag:$0x1] =	stream.indirect_vreg.gather [hbm4b:s11+s2], $0x80, v20, vm0, $0xb8;
	[tilespmem:$0x1D000] =	vst v63  }
0x5b: {  	v20 =	vld [tilespmem:s0+$0x0];
	_ =	sdelay $0x4  }
0x5c: {  	v45 =	vshrl.u32 v20, $0x3  }
0x5d: {  	v21 =	vmul.u32 $0x70, v45  }
0x5e: {  	v20 =	vand.u32 $0x7, v20  }
0x5f: {  	v20 =	vor.u32 v20, v21  }
0x60: {  	v21 =	vperm.xlane v20, v0;
	_ =	sdelay $0x1  }
0x61: {  	v21 =	vadd.s32 v2, v21;
	_ =	sdelay $0x1  }
0x62: {  	v20 =	vperm.xlane v20, v4;
	_ =	sdelay $0x1  }
0x63: {  	s17 =	simm.s32 $0x5000;
	v20 =	vadd.s32 v2, v20  }
0x64: {  	[tilespmem:s17], [sflag:$0x1] =	stream.indirect_vreg.gather [hbm4b:s12+s2], $0x80, v21, vm0, $0xb8;
	[tilespmem:$0x1D000] =	vst v63  }
0x65: {  	s22 =	sadd.s32 $0x100, s12;
	s21 =	simm.s32 $0x5800  }
0x66: {  	[tilespmem:s21], [sflag:$0x1] =	stream.indirect_vreg.gather [hbm4b:s22+s2], $0x80, v21, vm0, $0xb8;
	[tilespmem:$0x1D000] =	vst v63  }
0x67: {  	s23 =	simm.s32 $0x6000  }
0x68: {  	[tilespmem:s23], [sflag:$0x1] =	stream.indirect_vreg.gather [hbm4b:s12+s2], $0x80, v20, vm0, $0xb8;
	[tilespmem:$0x1D000] =	vst v63  }
0x69: {  	s24 =	simm.s32 $0x6800  }
0x6a: {  	[tilespmem:s24], [sflag:$0x1] =	stream.indirect_vreg.gather [hbm4b:s22+s2], $0x80, v20, vm0, $0xb8;
	[tilespmem:$0x1D000] =	vst v63  }
0x6b: {  	v20 =	vld [tilespmem:s0+$0x10];
	_ =	sdelay $0x4  }
0x6c: {  	v46 =	vshrl.u32 v20, $0x3  }
0x6d: {  	v21 =	vmul.u32 $0x70, v46  }
0x6e: {  	v20 =	vand.u32 $0x7, v20  }
0x6f: {  	v20 =	vor.u32 v20, v21  }
0x70: {  	v21 =	vperm.xlane v20, v0;
	_ =	sdelay $0x1  }
0x71: {  	v21 =	vadd.s32 v2, v21;
	_ =	sdelay $0x1  }
0x72: {  	v20 =	vperm.xlane v20, v4;
	_ =	sdelay $0x1  }
0x73: {  	s26 =	simm.s32 $0x7000;
	v20 =	vadd.s32 v2, v20  }
0x74: {  	[tilespmem:s26], [sflag:$0x1] =	stream.indirect_vreg.gather [hbm4b:s12+s2], $0x80, v21, vm0, $0xb8;
	[tilespmem:$0x1D000] =	vst v63  }
0x75: {  	s7 =	simm.s32 $0x7800  }
0x76: {  	[tilespmem:s7], [sflag:$0x1] =	stream.indirect_vreg.gather [hbm4b:s22+s2], $0x80, v21, vm0, $0xb8;
	[tilespmem:$0x1D000] =	vst v63  }
0x77: {  	s8 =	simm.s32 $0x8000  }
0x78: {  	[tilespmem:s8], [sflag:$0x1] =	stream.indirect_vreg.gather [hbm4b:s12+s2], $0x80, v20, vm0, $0xb8;
	[tilespmem:$0x1D000] =	vst v63  }
0x79: {  	s9 =	simm.s32 $0x8800  }
0x7a: {  	[tilespmem:s9], [sflag:$0x1] =	stream.indirect_vreg.gather [hbm4b:s22+s2], $0x80, v20, vm0, $0xb8;
	[tilespmem:$0x1D000] =	vst v63  }
0x7b: {  	v20 =	vld [tilespmem:s0+$0x0];
	_ =	sdelay $0x4  }
0x7c: {  	v47 =	vshrl.u32 v20, $0x3  }
0x7d: {  	v21 =	vmul.u32 $0x70, v47  }
0x7e: {  	v20 =	vand.u32 $0x7, v20  }
0x7f: {  	v20 =	vor.u32 v20, v21  }
0x80: {  	v21 =	vperm.xlane v20, v0;
	_ =	sdelay $0x1  }
0x81: {  	v21 =	vadd.s32 v2, v21;
	_ =	sdelay $0x1  }
0x82: {  	v20 =	vperm.xlane v20, v4;
	_ =	sdelay $0x1  }
0x83: {  	s16 =	simm.s32 $0x9000;
	v20 =	vadd.s32 v2, v20  }
0x84: {  	[tilespmem:s16], [sflag:$0x1] =	stream.indirect_vreg.gather [hbm4b:s13+s2], $0x80, v21, vm0, $0xb8;
	[tilespmem:$0x1D000] =	vst v63  }
0x85: {  	s29 =	sadd.s32 $0x100, s13;
	s17 =	simm.s32 $0x9800  }
0x86: {  	[tilespmem:s17], [sflag:$0x1] =	stream.indirect_vreg.gather [hbm4b:s29+s2], $0x80, v21, vm0, $0xb8;
	[tilespmem:$0x1D000] =	vst v63  }
0x87: {  	s21 =	simm.s32 $0xA000  }
0x88: {  	[tilespmem:s21], [sflag:$0x1] =	stream.indirect_vreg.gather [hbm4b:s13+s2], $0x80, v20, vm0, $0xb8;
	[tilespmem:$0x1D000] =	vst v63  }
0x89: {  	s23 =	simm.s32 $0xA800  }
0x8a: {  	[tilespmem:s23], [sflag:$0x1] =	stream.indirect_vreg.gather [hbm4b:s29+s2], $0x80, v20, vm0, $0xb8;
	[tilespmem:$0x1D000] =	vst v63  }
0x8b: {  	v20 =	vld [tilespmem:s0+$0x10];
	_ =	sdelay $0x4  }
0x8c: {  	v48 =	vshrl.u32 v20, $0x3  }
0x8d: {  	v21 =	vmul.u32 $0x70, v48  }
0x8e: {  	v20 =	vand.u32 $0x7, v20  }
0x8f: {  	v20 =	vor.u32 v20, v21  }
0x90: {  	v21 =	vperm.xlane v20, v0;
	_ =	sdelay $0x1  }
0x91: {  	v21 =	vadd.s32 v2, v21;
	_ =	sdelay $0x1  }
0x92: {  	v20 =	vperm.xlane v20, v4;
	_ =	sdelay $0x1  }
0x93: {  	s24 =	simm.s32 $0xB000;
	v20 =	vadd.s32 v2, v20  }
0x94: {  	[tilespmem:s24], [sflag:$0x1] =	stream.indirect_vreg.gather [hbm4b:s13+s2], $0x80, v21, vm0, $0xb8;
	[tilespmem:$0x1D000] =	vst v63  }
0x95: {  	s26 =	simm.s32 $0xB800  }
0x96: {  	[tilespmem:s26], [sflag:$0x1] =	stream.indirect_vreg.gather [hbm4b:s29+s2], $0x80, v21, vm0, $0xb8;
	[tilespmem:$0x1D000] =	vst v63  }
0x97: {  	s7 =	simm.s32 $0xC000  }
0x98: {  	[tilespmem:s7], [sflag:$0x1] =	stream.indirect_vreg.gather [hbm4b:s13+s2], $0x80, v20, vm0, $0xb8;
	[tilespmem:$0x1D000] =	vst v63  }
0x99: {  	s8 =	simm.s32 $0xC800  }
0x9a: {  	[tilespmem:s8], [sflag:$0x1] =	stream.indirect_vreg.gather [hbm4b:s29+s2], $0x80, v20, vm0, $0xb8;
	[tilespmem:$0x1D000] =	vst v63  }
0x9b: {  	v20 =	vld [tilespmem:s0+$0x0];
	_ =	sdelay $0x4  }
0x9c: {  	v49 =	vshrl.u32 v20, $0x3  }
0x9d: {  	v21 =	vmul.u32 $0x70, v49  }
0x9e: {  	v20 =	vand.u32 $0x7, v20  }
0x9f: {  	v20 =	vor.u32 v20, v21  }
0xa0: {  	v21 =	vperm.xlane v20, v5;
	_ =	sdelay $0x1  }
0xa1: {  	v22 =	vperm.xlane v20, v7;
	v21 =	vadd.s32 v6, v21;
	_ =	sdelay $0x1  }
0xa2: {  	v23 =	vperm.xlane v20, v8;
	v22 =	vadd.s32 v6, v22;
	_ =	sdelay $0x1  }
0xa3: {  	s9 =	simm.s32 $0xD000;
	v24 =	vperm.xlane v20, v3;
	v23 =	vadd.s32 v6, v23  }
0xa4: {  	[tilespmem:s9], [sflag:$0x1] =	stream.indirect_vreg.gather [hbm4b:s14+s2], $0x80, v21, vm1, $0xb8;
	[tilespmem:$0x1D000] =	vst v63  }
0xa5: {  	s16 =	simm.s32 $0xD080;
	v51 =	vperm.xlane v20, v9;
	v50 =	vadd.s32 v6, v24  }
0xa6: {  	[tilespmem:s16], [sflag:$0x1] =	stream.indirect_vreg.gather [hbm4b:s14+s2], $0x80, v22, vm1, $0xb8;
	[tilespmem:$0x1D000] =	vst v63  }
0xa7: {  	s17 =	simm.s32 $0xD100;
	v53 =	vperm.xlane v20, v10;
	v52 =	vadd.s32 v6, v51  }
0xa8: {  	[tilespmem:s17], [sflag:$0x1] =	stream.indirect_vreg.gather [hbm4b:s14+s2], $0x80, v23, vm1, $0xb8;
	[tilespmem:$0x1D000] =	vst v63  }
0xa9: {  	s21 =	simm.s32 $0xD180;
	v55 =	vperm.xlane v20, v11;
	v54 =	vadd.s32 v6, v53  }
0xaa: {  	[tilespmem:s21], [sflag:$0x1] =	stream.indirect_vreg.gather [hbm4b:s14+s2], $0x80, v50, vm1, $0xb8;
	[tilespmem:$0x1D000] =	vst v63  }
0xab: {  	s23 =	simm.s32 $0xD200;
	v57 =	vperm.xlane v20, v1;
	v56 =	vadd.s32 v6, v55  }
0xac: {  	[tilespmem:s23], [sflag:$0x1] =	stream.indirect_vreg.gather [hbm4b:s14+s2], $0x80, v52, vm1, $0xb8;
	[tilespmem:$0x1D000] =	vst v63  }
0xad: {  	s24 =	simm.s32 $0xD280;
	v59 =	vperm.xlane v20, v12;
	v58 =	vadd.s32 v6, v57  }
0xae: {  	[tilespmem:s24], [sflag:$0x1] =	stream.indirect_vreg.gather [hbm4b:s14+s2], $0x80, v54, vm1, $0xb8;
	[tilespmem:$0x1D000] =	vst v63  }
0xaf: {  	s26 =	simm.s32 $0xD300;
	v61 =	vperm.xlane v20, v13;
	v60 =	vadd.s32 v6, v59  }
0xb0: {  	[tilespmem:s26], [sflag:$0x1] =	stream.indirect_vreg.gather [hbm4b:s14+s2], $0x80, v56, vm1, $0xb8;
	[tilespmem:$0x1D000] =	vst v63  }
0xb1: {  	s7 =	simm.s32 $0xD380;
	v63 =	vperm.xlane v20, v14;
	v62 =	vadd.s32 v6, v61  }
0xb2: {  	[tilespmem:s7], [sflag:$0x1] =	stream.indirect_vreg.gather [hbm4b:s14+s2], $0x80, v58, vm1, $0xb8;
	[tilespmem:$0x1D000] =	vst v63  }
0xb3: {  	s8 =	simm.s32 $0xD400;
	v29 =	vperm.xlane v20, v15;
	v28 =	vadd.s32 v6, v63  }
0xb4: {  	[tilespmem:s8], [sflag:$0x1] =	stream.indirect_vreg.gather [hbm4b:s14+s2], $0x80, v60, vm1, $0xb8;
	[tilespmem:$0x1D000] =	vst v63  }
0xb5: {  	v31 =	vperm.xlane v20, v16;
	v30 =	vadd.s32 v6, v29;
	s9 =	simm.s32 $0xD480  }
0xb6: {  	[tilespmem:s9], [sflag:$0x1] =	stream.indirect_vreg.gather [hbm4b:s14+s2], $0x80, v62, vm1, $0xb8;
	[tilespmem:$0x1D000] =	vst v63  }
0xb7: {  	v33 =	vperm.xlane v20, v17;
	v32 =	vadd.s32 v6, v31;
	s16 =	simm.s32 $0xD500  }
0xb8: {  	[tilespmem:s16], [sflag:$0x1] =	stream.indirect_vreg.gather [hbm4b:s14+s2], $0x80, v28, vm1, $0xb8;
	[tilespmem:$0x1D000] =	vst v63  }
0xb9: {  	v35 =	vperm.xlane v20, v18;
	v34 =	vadd.s32 v6, v33;
	s17 =	simm.s32 $0xD580  }
0xba: {  	[tilespmem:s17], [sflag:$0x1] =	stream.indirect_vreg.gather [hbm4b:s14+s2], $0x80, v30, vm1, $0xb8;
	[tilespmem:$0x1D000] =	vst v63  }
0xbb: {  	v20 =	vperm.xlane v20, v19;
	v36 =	vadd.s32 v6, v35;
	s21 =	simm.s32 $0xD600  }
0xbc: {  	[tilespmem:s21], [sflag:$0x1] =	stream.indirect_vreg.gather [hbm4b:s14+s2], $0x80, v32, vm1, $0xb8;
	[tilespmem:$0x1D000] =	vst v63  }
0xbd: {  	v20 =	vadd.s32 v6, v20;
	s23 =	simm.s32 $0xD680  }
0xbe: {  	[tilespmem:s23], [sflag:$0x1] =	stream.indirect_vreg.gather [hbm4b:s14+s2], $0x80, v34, vm1, $0xb8;
	[tilespmem:$0x1D000] =	vst v63  }
0xbf: {  	s24 =	simm.s32 $0xD700  }
0xc0: {  	[tilespmem:s24], [sflag:$0x1] =	stream.indirect_vreg.gather [hbm4b:s14+s2], $0x80, v36, vm1, $0xb8;
	[tilespmem:$0x1D000] =	vst v63  }
0xc1: {  	s26 =	simm.s32 $0xD780  }
0xc2: {  	[tilespmem:s26], [sflag:$0x1] =	stream.indirect_vreg.gather [hbm4b:s14+s2], $0x80, v20, vm1, $0xb8;
	[tilespmem:$0x1D000] =	vst v63  }
0xc3: {  	v20 =	vld [tilespmem:s0+$0x10];
	_ =	sdelay $0x4  }
0xc4: {  	v37 =	vshrl.u32 v20, $0x3  }
0xc5: {  	v21 =	vmul.u32 $0x70, v37  }
0xc6: {  	v20 =	vand.u32 $0x7, v20  }
0xc7: {  	v20 =	vor.u32 v20, v21  }
0xc8: {  	v21 =	vperm.xlane v20, v5;
	_ =	sdelay $0x1  }
0xc9: {  	v38 =	vperm.xlane v20, v7;
	v21 =	vadd.s32 v6, v21;
	_ =	sdelay $0x1  }
0xca: {  	v39 =	vperm.xlane v20, v8;
	v22 =	vadd.s32 v6, v38;
	_ =	sdelay $0x1  }
0xcb: {  	s7 =	simm.s32 $0xD800;
	v40 =	vperm.xlane v20, v3;
	v23 =	vadd.s32 v6, v39  }
0xcc: {  	[tilespmem:s7], [sflag:$0x1] =	stream.indirect_vreg.gather [hbm4b:s14+s2], $0x80, v21, vm1, $0xb8;
	[tilespmem:$0x1D000] =	vst v63  }
0xcd: {  	s8 =	simm.s32 $0xD880;
	v42 =	vperm.xlane v20, v9;
	v41 =	vadd.s32 v6, v40  }
0xce: {  	[tilespmem:s8], [sflag:$0x1] =	stream.indirect_vreg.gather [hbm4b:s14+s2], $0x80, v22, vm1, $0xb8;
	[tilespmem:$0x1D000] =	vst v63  }
0xcf: {  	s9 =	simm.s32 $0xD900;
	v44 =	vperm.xlane v20, v10;
	v43 =	vadd.s32 v6, v42  }
0xd0: {  	[tilespmem:s9], [sflag:$0x1] =	stream.indirect_vreg.gather [hbm4b:s14+s2], $0x80, v23, vm1, $0xb8;
	[tilespmem:$0x1D000] =	vst v63  }
0xd1: {  	s16 =	simm.s32 $0xD980;
	v46 =	vperm.xlane v20, v11;
	v45 =	vadd.s32 v6, v44  }
0xd2: {  	[tilespmem:s16], [sflag:$0x1] =	stream.indirect_vreg.gather [hbm4b:s14+s2], $0x80, v41, vm1, $0xb8;
	[tilespmem:$0x1D000] =	vst v63  }
0xd3: {  	s17 =	simm.s32 $0xDA00;
	v48 =	vperm.xlane v20, v1;
	v47 =	vadd.s32 v6, v46  }
0xd4: {  	[tilespmem:s17], [sflag:$0x1] =	stream.indirect_vreg.gather [hbm4b:s14+s2], $0x80, v43, vm1, $0xb8;
	[tilespmem:$0x1D000] =	vst v63  }
0xd5: {  	s21 =	simm.s32 $0xDA80;
	v50 =	vperm.xlane v20, v12;
	v49 =	vadd.s32 v6, v48  }
0xd6: {  	[tilespmem:s21], [sflag:$0x1] =	stream.indirect_vreg.gather [hbm4b:s14+s2], $0x80, v45, vm1, $0xb8;
	[tilespmem:$0x1D000] =	vst v63  }
0xd7: {  	s23 =	simm.s32 $0xDB00;
	v52 =	vperm.xlane v20, v13;
	v51 =	vadd.s32 v6, v50  }
0xd8: {  	[tilespmem:s23], [sflag:$0x1] =	stream.indirect_vreg.gather [hbm4b:s14+s2], $0x80, v47, vm1, $0xb8;
	[tilespmem:$0x1D000] =	vst v63  }
0xd9: {  	s24 =	simm.s32 $0xDB80;
	v54 =	vperm.xlane v20, v14;
	v53 =	vadd.s32 v6, v52  }
0xda: {  	[tilespmem:s24], [sflag:$0x1] =	stream.indirect_vreg.gather [hbm4b:s14+s2], $0x80, v49, vm1, $0xb8;
	[tilespmem:$0x1D000] =	vst v63  }
0xdb: {  	s26 =	simm.s32 $0xDC00;
	v56 =	vperm.xlane v20, v15;
	v55 =	vadd.s32 v6, v54  }
0xdc: {  	[tilespmem:s26], [sflag:$0x1] =	stream.indirect_vreg.gather [hbm4b:s14+s2], $0x80, v51, vm1, $0xb8;
	[tilespmem:$0x1D000] =	vst v63  }
0xdd: {  	v58 =	vperm.xlane v20, v16;
	v57 =	vadd.s32 v6, v56;
	s7 =	simm.s32 $0xDC80  }
0xde: {  	[tilespmem:s7], [sflag:$0x1] =	stream.indirect_vreg.gather [hbm4b:s14+s2], $0x80, v53, vm1, $0xb8;
	[tilespmem:$0x1D000] =	vst v63  }
0xdf: {  	v60 =	vperm.xlane v20, v17;
	v59 =	vadd.s32 v6, v58;
	s8 =	simm.s32 $0xDD00  }
0xe0: {  	[tilespmem:s8], [sflag:$0x1] =	stream.indirect_vreg.gather [hbm4b:s14+s2], $0x80, v55, vm1, $0xb8;
	[tilespmem:$0x1D000] =	vst v63  }
0xe1: {  	v62 =	vperm.xlane v20, v18;
	v61 =	vadd.s32 v6, v60;
	s9 =	simm.s32 $0xDD80  }
0xe2: {  	[tilespmem:s9], [sflag:$0x1] =	stream.indirect_vreg.gather [hbm4b:s14+s2], $0x80, v57, vm1, $0xb8;
	[tilespmem:$0x1D000] =	vst v63  }
0xe3: {  	v20 =	vperm.xlane v20, v19;
	v63 =	vadd.s32 v6, v62;
	s16 =	simm.s32 $0xDE00  }
0xe4: {  	[tilespmem:s16], [sflag:$0x1] =	stream.indirect_vreg.gather [hbm4b:s14+s2], $0x80, v59, vm1, $0xb8;
	[tilespmem:$0x1D000] =	vst v63  }
0xe5: {  	v20 =	vadd.s32 v6, v20;
	s17 =	simm.s32 $0xDE80  }
0xe6: {  	[tilespmem:s17], [sflag:$0x1] =	stream.indirect_vreg.gather [hbm4b:s14+s2], $0x80, v61, vm1, $0xb8;
	[tilespmem:$0x1D000] =	vst v63  }
0xe7: {  	s28 =	simm.s32 $0x4;
	s21 =	simm.s32 $0xDF00  }
0xe8: {  	[tilespmem:s21], [sflag:$0x1] =	stream.indirect_vreg.gather [hbm4b:s14+s2], $0x80, v63, vm1, $0xb8;
	[tilespmem:$0x1D000] =	vst v63  }
.Ltmp2:
0xe9: {  	s30 =	simm.s32 $0x0;
	s23 =	simm.s32 $0xDF80;
	(pc) =	sbr.rel .LBB2_2-.Ltmp2, $4  }
0xea: {  	[tilespmem:s23], [sflag:$0x1] =	stream.indirect_vreg.gather [hbm4b:s14+s2], $0x80, v20, vm1, $0xb8;
	[tilespmem:$0x1D000] =	vst v63  }
0xeb: {  	s24 =	simm.s32 $0x20;
	s26 =	simm.s32 $0xE000;
	s8 =	rddreg [dreg:$0xa]  }
0xec: {  	[tilespmem:s26], [sflag:$0x1] =	stream.indirect.gather [hbm4b:s8+s24], $0x80, s0, s24, $0xb8;
	[tilespmem:$0x1D000] =	vst v63  }
0xed: {  	s7 =	simm.s32 $0x0;
	s21 =	simm.s32 $0x40;
	s0 =	simm.s32 $0x2  }
.LBB2_4:
0xee: {  	s3 =	sand.u32 $0x3C, s28  }
0xef: {  	s9 =	smul.u32 $0x3800, s3;
	_ =	sdelay $0x1  }
0xf0: {  	s9 =	sadd.s32 s16, s9  }
0xf1: {  	s9 =	sshrl.u32 s9, $0x3  }
0xf2: {  	s19 =	simm.s32 $0xF000;
	s23 =	simm.s32 $0x13000;
	s16 =	sadd.s32 s5, s9  }
0xf3: {  	[hbm4b:s16+s20] =	stream.strided.scatter [tilespmem:s19], [sflag:$0x4], $0x4000, s25, s20, $0x38;
	[tilespmem:$0x1D000] =	vst v63  }
0xf4: {  	s8 =	simm.s32 $0x17000;
	s30 =	sadd.s32 $0x200, s30;
	s9 =	sadd.s32 s9, s15  }
0xf5: {  	[hbm4b:s9+s20] =	stream.strided.scatter [tilespmem:s23], [sflag:$0x4], $0x4000, s25, s20, $0x38;
	[tilespmem:$0x1D000] =	vst v63  }
0xf6: {  	s7 =	sadd.s32 $0x1, s7;
	p0 =	sne.s32 s30, $0x2000;
	s23 =	sadd.s32 $0x400, s16  }
0xf7: {  	[hbm4b:s23+s20] =	stream.strided.scatter [tilespmem:s8], [sflag:$0x4], $0x4000, s25, s20, $0x38;
	[tilespmem:$0x1D000] =	vst v63  }
.Ltmp3:
0xf8: {  	s21 =	sadd.s32 $0x40, s21;
	s23 =	sadd.s32 $0x600, s16;
	(pc) =	sbr.rel @!p0 .LBB2_5-.Ltmp3, $4  }
0xf9: {  	[hbm4b:s23+s26] =	stream.strided.scatter [tilespmem:s24], [sflag:$0x4], $0x1000, s25, s26, $0x38;
	[tilespmem:$0x1D000] =	vst v63  }
0xfa: {  	s28 =	sadd.s32 $0x8, s28;
	s3 =	sshll.u32 s3, $0x7;
	s26 =	sadd.s32 s6, s17  }
0xfb: {  	s0 =	sadd.s32 $0x2, s0;
	s8 =	simm.s32 $0x1C000;
	s3 =	sadd.s32 s3, s26  }
0xfc: {  	[hbm4b:s3+s2] =	stream.linear.scatter [tilespmem:s8], [sflag:$0x4], $0x1000, $0x38;
	[tilespmem:$0x1D000] =	vst v63  }
.LBB2_2:
0xfd: {  	_ =	swait.ge [sflag:s31], $0x4000  }
0xfe: {  	[sflag:s31] =	ssyncset.done $0x0  }
0xff: {  	[sflag:s31] =	ssyncadd.s32 $0xFFFFC000  }
0x100: {  	_ =	swait.ge [sflag:s31], $0x4000  }
0x101: {  	[sflag:s31] =	ssyncset.done $0x0  }
0x102: {  	[sflag:s31] =	ssyncadd.s32 $0xFFFFC000  }
0x103: {  	_ =	swait.ge [sflag:s31], $0x4000  }
0x104: {  	[sflag:s31] =	ssyncset.done $0x0  }
0x105: {  	[sflag:s31] =	ssyncadd.s32 $0xFFFFC000  }
0x106: {  	_ =	swait.ge [sflag:s31], $0x1000  }
0x107: {  	[sflag:s31] =	ssyncset.done $0x0  }
0x108: {  	[sflag:s31] =	ssyncadd.s32 $0xFFFFF000  }
0x109: {  	_ =	swait.ge [sflag:s31], $0x1000  }
0x10a: {  	p0 =	seq.s32 s30, $0x0;
	[sflag:s31] =	ssyncset.done $0x0  }
0x10b: {  	s3 =	simm.s32 @!p0 $0x4;
	[sflag:s31] =	ssyncadd.s32 $0xFFFFF000  }
0x10c: {  	_ =	swait.ge @!p0 [sflag:s3], $0x4000  }
0x10d: {  	[sflag:s3] =	ssyncset.done @!p0 $0x0  }
0x10e: {  	[sflag:s3] =	ssyncadd.s32 @!p0 $0xFFFFC000  }
0x10f: {  	_ =	swait.ge @!p0 [sflag:s3], $0x4000  }
0x110: {  	[sflag:s3] =	ssyncset.done @!p0 $0x0  }
0x111: {  	[sflag:s3] =	ssyncadd.s32 @!p0 $0xFFFFC000  }
0x112: {  	_ =	swait.ge @!p0 [sflag:s3], $0x4000  }
0x113: {  	[sflag:s3] =	ssyncset.done @!p0 $0x0  }
0x114: {  	[sflag:s3] =	ssyncadd.s32 @!p0 $0xFFFFC000  }
0x115: {  	s16 =	sshrl.u32 s7, $0x3;
	_ =	swait.ge @!p0 [sflag:s3], $0x1000  }
0x116: {  	s17 =	sadd.s32 s4, s16;
	[sflag:s3] =	ssyncset.done @!p0 $0x0  }
0x117: {  	s26 =	sadd.s32 $0xFFFFFFE0, s21;
	s17 =	sshll.u32 s17, $0x7;
	[sflag:s3] =	ssyncadd.s32 @!p0 $0xFFFFF000  }
0x118: {  	s9 =	sand.u32 $0xC00, s30;
	s17 =	sand.u32 $0x3FFFFF80, s17;
	_ =	swait.ge @!p0 [sflag:s3], $0x1000  }
0x119: {  	s26 =	sand.u32 $0x60, s26;
	s9 =	sadd.s32 s17, s9;
	[sflag:s3] =	ssyncset.done @!p0 $0x0  }
0x11a: {  	s17 =	sor.u32 s26, s9;
	[sflag:s3] =	ssyncadd.s32 @!p0 $0xFFFFF000  }
0x11b: {  	v20 =	vld [tilespmem:s17+$0x0];
	_ =	sdelay $0x4  }
0x11c: {  	v21 =	vshrl.u32 v20, $0x3  }
0x11d: {  	v21 =	vmul.u32 $0x70, v21  }
0x11e: {  	v20 =	vand.u32 $0x7, v20  }
0x11f: {  	v20 =	vor.u32 v20, v21  }
0x120: {  	v21 =	vperm.xlane v20, v0;
	_ =	sdelay $0x1  }
0x121: {  	v21 =	vadd.s32 v2, v21;
	_ =	sdelay $0x1  }
0x122: {  	v20 =	vperm.xlane v20, v4;
	_ =	sdelay $0x1  }
0x123: {  	v20 =	vadd.s32 v2, v20  }
0x124: {  	[tilespmem:s19], [sflag:$0x2] =	stream.indirect_vreg.gather [hbm4b:s1+s2], $0x80, v21, vm0, $0xb8;
	[tilespmem:$0x1D000] =	vst v63  }
0x125: {  	s9 =	simm.s32 $0xF800  }
0x126: {  	[tilespmem:s9], [sflag:$0x2] =	stream.indirect_vreg.gather [hbm4b:s11+s2], $0x80, v21, vm0, $0xb8;
	[tilespmem:$0x1D000] =	vst v63  }
0x127: {  	s19 =	simm.s32 $0x10000  }
0x128: {  	[tilespmem:s19], [sflag:$0x2] =	stream.indirect_vreg.gather [hbm4b:s1+s2], $0x80, v20, vm0, $0xb8;
	[tilespmem:$0x1D000] =	vst v63  }
0x129: {  	s26 =	simm.s32 $0x10800  }
0x12a: {  	[tilespmem:s26], [sflag:$0x2] =	stream.indirect_vreg.gather [hbm4b:s11+s2], $0x80, v20, vm0, $0xb8;
	[tilespmem:$0x1D000] =	vst v63  }
0x12b: {  	v20 =	vld [tilespmem:s17+$0x10];
	_ =	sdelay $0x4  }
0x12c: {  	v44 =	vshrl.u32 v20, $0x3  }
0x12d: {  	v21 =	vmul.u32 $0x70, v44  }
0x12e: {  	v20 =	vand.u32 $0x7, v20  }
0x12f: {  	v20 =	vor.u32 v20, v21  }
0x130: {  	v21 =	vperm.xlane v20, v0;
	_ =	sdelay $0x1  }
0x131: {  	v21 =	vadd.s32 v2, v21;
	_ =	sdelay $0x1  }
0x132: {  	v20 =	vperm.xlane v20, v4;
	_ =	sdelay $0x1  }
0x133: {  	s9 =	simm.s32 $0x11000;
	v20 =	vadd.s32 v2, v20  }
0x134: {  	[tilespmem:s9], [sflag:$0x2] =	stream.indirect_vreg.gather [hbm4b:s1+s2], $0x80, v21, vm0, $0xb8;
	[tilespmem:$0x1D000] =	vst v63  }
0x135: {  	s19 =	simm.s32 $0x11800  }
0x136: {  	[tilespmem:s19], [sflag:$0x2] =	stream.indirect_vreg.gather [hbm4b:s11+s2], $0x80, v21, vm0, $0xb8;
	[tilespmem:$0x1D000] =	vst v63  }
0x137: {  	s26 =	simm.s32 $0x12000  }
0x138: {  	[tilespmem:s26], [sflag:$0x2] =	stream.indirect_vreg.gather [hbm4b:s1+s2], $0x80, v20, vm0, $0xb8;
	[tilespmem:$0x1D000] =	vst v63  }
0x139: {  	s9 =	simm.s32 $0x12800  }
0x13a: {  	[tilespmem:s9], [sflag:$0x2] =	stream.indirect_vreg.gather [hbm4b:s11+s2], $0x80, v20, vm0, $0xb8;
	[tilespmem:$0x1D000] =	vst v63  }
0x13b: {  	v20 =	vld [tilespmem:s17+$0x0];
	_ =	sdelay $0x4  }
0x13c: {  	v45 =	vshrl.u32 v20, $0x3  }
0x13d: {  	v21 =	vmul.u32 $0x70, v45  }
0x13e: {  	v20 =	vand.u32 $0x7, v20  }
0x13f: {  	v20 =	vor.u32 v20, v21  }
0x140: {  	v21 =	vperm.xlane v20, v0;
	_ =	sdelay $0x1  }
0x141: {  	v21 =	vadd.s32 v2, v21;
	_ =	sdelay $0x1  }
0x142: {  	v20 =	vperm.xlane v20, v4;
	_ =	sdelay $0x1  }
0x143: {  	s23 =	simm.s32 $0x13000;
	v20 =	vadd.s32 v2, v20  }
0x144: {  	[tilespmem:s23], [sflag:$0x2] =	stream.indirect_vreg.gather [hbm4b:s12+s2], $0x80, v21, vm0, $0xb8;
	[tilespmem:$0x1D000] =	vst v63  }
0x145: {  	s19 =	simm.s32 $0x13800  }
0x146: {  	[tilespmem:s19], [sflag:$0x2] =	stream.indirect_vreg.gather [hbm4b:s22+s2], $0x80, v21, vm0, $0xb8;
	[tilespmem:$0x1D000] =	vst v63  }
0x147: {  	s23 =	simm.s32 $0x14000  }
0x148: {  	[tilespmem:s23], [sflag:$0x2] =	stream.indirect_vreg.gather [hbm4b:s12+s2], $0x80, v20, vm0, $0xb8;
	[tilespmem:$0x1D000] =	vst v63  }
0x149: {  	s26 =	simm.s32 $0x14800  }
0x14a: {  	[tilespmem:s26], [sflag:$0x2] =	stream.indirect_vreg.gather [hbm4b:s22+s2], $0x80, v20, vm0, $0xb8;
	[tilespmem:$0x1D000] =	vst v63  }
0x14b: {  	v20 =	vld [tilespmem:s17+$0x10];
	_ =	sdelay $0x4  }
0x14c: {  	v46 =	vshrl.u32 v20, $0x3  }
0x14d: {  	v21 =	vmul.u32 $0x70, v46  }
0x14e: {  	v20 =	vand.u32 $0x7, v20  }
0x14f: {  	v20 =	vor.u32 v20, v21  }
0x150: {  	v21 =	vperm.xlane v20, v0;
	_ =	sdelay $0x1  }
0x151: {  	v21 =	vadd.s32 v2, v21;
	_ =	sdelay $0x1  }
0x152: {  	v20 =	vperm.xlane v20, v4;
	_ =	sdelay $0x1  }
0x153: {  	s9 =	simm.s32 $0x15000;
	v20 =	vadd.s32 v2, v20  }
0x154: {  	[tilespmem:s9], [sflag:$0x2] =	stream.indirect_vreg.gather [hbm4b:s12+s2], $0x80, v21, vm0, $0xb8;
	[tilespmem:$0x1D000] =	vst v63  }
0x155: {  	s19 =	simm.s32 $0x15800  }
0x156: {  	[tilespmem:s19], [sflag:$0x2] =	stream.indirect_vreg.gather [hbm4b:s22+s2], $0x80, v21, vm0, $0xb8;
	[tilespmem:$0x1D000] =	vst v63  }
0x157: {  	s23 =	simm.s32 $0x16000  }
0x158: {  	[tilespmem:s23], [sflag:$0x2] =	stream.indirect_vreg.gather [hbm4b:s12+s2], $0x80, v20, vm0, $0xb8;
	[tilespmem:$0x1D000] =	vst v63  }
0x159: {  	s26 =	simm.s32 $0x16800  }
0x15a: {  	[tilespmem:s26], [sflag:$0x2] =	stream.indirect_vreg.gather [hbm4b:s22+s2], $0x80, v20, vm0, $0xb8;
	[tilespmem:$0x1D000] =	vst v63  }
0x15b: {  	v20 =	vld [tilespmem:s17+$0x0];
	_ =	sdelay $0x4  }
0x15c: {  	v47 =	vshrl.u32 v20, $0x3  }
0x15d: {  	v21 =	vmul.u32 $0x70, v47  }
0x15e: {  	v20 =	vand.u32 $0x7, v20  }
0x15f: {  	v20 =	vor.u32 v20, v21  }
0x160: {  	v21 =	vperm.xlane v20, v0;
	_ =	sdelay $0x1  }
0x161: {  	v21 =	vadd.s32 v2, v21;
	_ =	sdelay $0x1  }
0x162: {  	v20 =	vperm.xlane v20, v4;
	_ =	sdelay $0x1  }
0x163: {  	s24 =	simm.s32 $0x17000;
	v20 =	vadd.s32 v2, v20  }
0x164: {  	[tilespmem:s24], [sflag:$0x2] =	stream.indirect_vreg.gather [hbm4b:s13+s2], $0x80, v21, vm0, $0xb8;
	[tilespmem:$0x1D000] =	vst v63  }
0x165: {  	s9 =	simm.s32 $0x17800  }
0x166: {  	[tilespmem:s9], [sflag:$0x2] =	stream.indirect_vreg.gather [hbm4b:s29+s2], $0x80, v21, vm0, $0xb8;
	[tilespmem:$0x1D000] =	vst v63  }
0x167: {  	s19 =	simm.s32 $0x18000  }
0x168: {  	[tilespmem:s19], [sflag:$0x2] =	stream.indirect_vreg.gather [hbm4b:s13+s2], $0x80, v20, vm0, $0xb8;
	[tilespmem:$0x1D000] =	vst v63  }
0x169: {  	s23 =	simm.s32 $0x18800  }
0x16a: {  	[tilespmem:s23], [sflag:$0x2] =	stream.indirect_vreg.gather [hbm4b:s29+s2], $0x80, v20, vm0, $0xb8;
	[tilespmem:$0x1D000] =	vst v63  }
0x16b: {  	v20 =	vld [tilespmem:s17+$0x10];
	_ =	sdelay $0x4  }
0x16c: {  	v48 =	vshrl.u32 v20, $0x3  }
0x16d: {  	v21 =	vmul.u32 $0x70, v48  }
0x16e: {  	v20 =	vand.u32 $0x7, v20  }
0x16f: {  	v20 =	vor.u32 v20, v21  }
0x170: {  	v21 =	vperm.xlane v20, v0;
	_ =	sdelay $0x1  }
0x171: {  	v21 =	vadd.s32 v2, v21;
	_ =	sdelay $0x1  }
0x172: {  	v20 =	vperm.xlane v20, v4;
	_ =	sdelay $0x1  }
0x173: {  	s26 =	simm.s32 $0x19000;
	v20 =	vadd.s32 v2, v20  }
0x174: {  	[tilespmem:s26], [sflag:$0x2] =	stream.indirect_vreg.gather [hbm4b:s13+s2], $0x80, v21, vm0, $0xb8;
	[tilespmem:$0x1D000] =	vst v63  }
0x175: {  	s9 =	simm.s32 $0x19800  }
0x176: {  	[tilespmem:s9], [sflag:$0x2] =	stream.indirect_vreg.gather [hbm4b:s29+s2], $0x80, v21, vm0, $0xb8;
	[tilespmem:$0x1D000] =	vst v63  }
0x177: {  	s19 =	simm.s32 $0x1A000  }
0x178: {  	[tilespmem:s19], [sflag:$0x2] =	stream.indirect_vreg.gather [hbm4b:s13+s2], $0x80, v20, vm0, $0xb8;
	[tilespmem:$0x1D000] =	vst v63  }
0x179: {  	s23 =	simm.s32 $0x1A800  }
0x17a: {  	[tilespmem:s23], [sflag:$0x2] =	stream.indirect_vreg.gather [hbm4b:s29+s2], $0x80, v20, vm0, $0xb8;
	[tilespmem:$0x1D000] =	vst v63  }
0x17b: {  	v20 =	vld [tilespmem:s17+$0x0];
	_ =	sdelay $0x4  }
0x17c: {  	v49 =	vshrl.u32 v20, $0x3  }
0x17d: {  	v21 =	vmul.u32 $0x70, v49  }
0x17e: {  	v20 =	vand.u32 $0x7, v20  }
0x17f: {  	v20 =	vor.u32 v20, v21  }
0x180: {  	v21 =	vperm.xlane v20, v5;
	_ =	sdelay $0x1  }
0x181: {  	v22 =	vperm.xlane v20, v7;
	v21 =	vadd.s32 v6, v21;
	_ =	sdelay $0x1  }
0x182: {  	v23 =	vperm.xlane v20, v8;
	v22 =	vadd.s32 v6, v22;
	_ =	sdelay $0x1  }
0x183: {  	s24 =	simm.s32 $0x1B000;
	v24 =	vperm.xlane v20, v3;
	v23 =	vadd.s32 v6, v23  }
0x184: {  	[tilespmem:s24], [sflag:$0x2] =	stream.indirect_vreg.gather [hbm4b:s14+s2], $0x80, v21, vm1, $0xb8;
	[tilespmem:$0x1D000] =	vst v63  }
0x185: {  	s26 =	simm.s32 $0x1B080;
	v51 =	vperm.xlane v20, v9;
	v50 =	vadd.s32 v6, v24  }
0x186: {  	[tilespmem:s26], [sflag:$0x2] =	stream.indirect_vreg.gather [hbm4b:s14+s2], $0x80, v22, vm1, $0xb8;
	[tilespmem:$0x1D000] =	vst v63  }
0x187: {  	s9 =	simm.s32 $0x1B100;
	v53 =	vperm.xlane v20, v10;
	v52 =	vadd.s32 v6, v51  }
0x188: {  	[tilespmem:s9], [sflag:$0x2] =	stream.indirect_vreg.gather [hbm4b:s14+s2], $0x80, v23, vm1, $0xb8;
	[tilespmem:$0x1D000] =	vst v63  }
0x189: {  	s19 =	simm.s32 $0x1B180;
	v55 =	vperm.xlane v20, v11;
	v54 =	vadd.s32 v6, v53  }
0x18a: {  	[tilespmem:s19], [sflag:$0x2] =	stream.indirect_vreg.gather [hbm4b:s14+s2], $0x80, v50, vm1, $0xb8;
	[tilespmem:$0x1D000] =	vst v63  }
0x18b: {  	s23 =	simm.s32 $0x1B200;
	v57 =	vperm.xlane v20, v1;
	v56 =	vadd.s32 v6, v55  }
0x18c: {  	[tilespmem:s23], [sflag:$0x2] =	stream.indirect_vreg.gather [hbm4b:s14+s2], $0x80, v52, vm1, $0xb8;
	[tilespmem:$0x1D000] =	vst v63  }
0x18d: {  	v59 =	vperm.xlane v20, v12;
	v58 =	vadd.s32 v6, v57;
	s26 =	simm.s32 $0x1B280  }
0x18e: {  	[tilespmem:s26], [sflag:$0x2] =	stream.indirect_vreg.gather [hbm4b:s14+s2], $0x80, v54, vm1, $0xb8;
	[tilespmem:$0x1D000] =	vst v63  }
0x18f: {  	v61 =	vperm.xlane v20, v13;
	v60 =	vadd.s32 v6, v59;
	s9 =	simm.s32 $0x1B300  }
0x190: {  	[tilespmem:s9], [sflag:$0x2] =	stream.indirect_vreg.gather [hbm4b:s14+s2], $0x80, v56, vm1, $0xb8;
	[tilespmem:$0x1D000] =	vst v63  }
0x191: {  	v63 =	vperm.xlane v20, v14;
	v62 =	vadd.s32 v6, v61;
	s19 =	simm.s32 $0x1B380  }
0x192: {  	[tilespmem:s19], [sflag:$0x2] =	stream.indirect_vreg.gather [hbm4b:s14+s2], $0x80, v58, vm1, $0xb8;
	[tilespmem:$0x1D000] =	vst v63  }
0x193: {  	v29 =	vperm.xlane v20, v15;
	v28 =	vadd.s32 v6, v63;
	s23 =	simm.s32 $0x1B400  }
0x194: {  	[tilespmem:s23], [sflag:$0x2] =	stream.indirect_vreg.gather [hbm4b:s14+s2], $0x80, v60, vm1, $0xb8;
	[tilespmem:$0x1D000] =	vst v63  }
0x195: {  	v31 =	vperm.xlane v20, v16;
	v30 =	vadd.s32 v6, v29;
	s26 =	simm.s32 $0x1B480  }
0x196: {  	[tilespmem:s26], [sflag:$0x2] =	stream.indirect_vreg.gather [hbm4b:s14+s2], $0x80, v62, vm1, $0xb8;
	[tilespmem:$0x1D000] =	vst v63  }
0x197: {  	v33 =	vperm.xlane v20, v17;
	v32 =	vadd.s32 v6, v31;
	s9 =	simm.s32 $0x1B500  }
0x198: {  	[tilespmem:s9], [sflag:$0x2] =	stream.indirect_vreg.gather [hbm4b:s14+s2], $0x80, v28, vm1, $0xb8;
	[tilespmem:$0x1D000] =	vst v63  }
0x199: {  	v35 =	vperm.xlane v20, v18;
	v34 =	vadd.s32 v6, v33;
	s19 =	simm.s32 $0x1B580  }
0x19a: {  	[tilespmem:s19], [sflag:$0x2] =	stream.indirect_vreg.gather [hbm4b:s14+s2], $0x80, v30, vm1, $0xb8;
	[tilespmem:$0x1D000] =	vst v63  }
0x19b: {  	v20 =	vperm.xlane v20, v19;
	v36 =	vadd.s32 v6, v35;
	s23 =	simm.s32 $0x1B600  }
0x19c: {  	[tilespmem:s23], [sflag:$0x2] =	stream.indirect_vreg.gather [hbm4b:s14+s2], $0x80, v32, vm1, $0xb8;
	[tilespmem:$0x1D000] =	vst v63  }
0x19d: {  	v20 =	vadd.s32 v6, v20;
	s26 =	simm.s32 $0x1B680  }
0x19e: {  	[tilespmem:s26], [sflag:$0x2] =	stream.indirect_vreg.gather [hbm4b:s14+s2], $0x80, v34, vm1, $0xb8;
	[tilespmem:$0x1D000] =	vst v63  }
0x19f: {  	s9 =	simm.s32 $0x1B700  }
0x1a0: {  	[tilespmem:s9], [sflag:$0x2] =	stream.indirect_vreg.gather [hbm4b:s14+s2], $0x80, v36, vm1, $0xb8;
	[tilespmem:$0x1D000] =	vst v63  }
0x1a1: {  	s19 =	simm.s32 $0x1B780  }
0x1a2: {  	[tilespmem:s19], [sflag:$0x2] =	stream.indirect_vreg.gather [hbm4b:s14+s2], $0x80, v20, vm1, $0xb8;
	[tilespmem:$0x1D000] =	vst v63  }
0x1a3: {  	v20 =	vld [tilespmem:s17+$0x10];
	_ =	sdelay $0x4  }
0x1a4: {  	v37 =	vshrl.u32 v20, $0x3  }
0x1a5: {  	v21 =	vmul.u32 $0x70, v37  }
0x1a6: {  	v20 =	vand.u32 $0x7, v20  }
0x1a7: {  	v20 =	vor.u32 v20, v21  }
0x1a8: {  	v21 =	vperm.xlane v20, v5;
	_ =	sdelay $0x1  }
0x1a9: {  	v38 =	vperm.xlane v20, v7;
	v21 =	vadd.s32 v6, v21;
	_ =	sdelay $0x1  }
0x1aa: {  	v39 =	vperm.xlane v20, v8;
	v22 =	vadd.s32 v6, v38;
	_ =	sdelay $0x1  }
0x1ab: {  	s23 =	simm.s32 $0x1B800;
	v40 =	vperm.xlane v20, v3;
	v23 =	vadd.s32 v6, v39  }
0x1ac: {  	[tilespmem:s23], [sflag:$0x2] =	stream.indirect_vreg.gather [hbm4b:s14+s2], $0x80, v21, vm1, $0xb8;
	[tilespmem:$0x1D000] =	vst v63  }
0x1ad: {  	s26 =	simm.s32 $0x1B880;
	v42 =	vperm.xlane v20, v9;
	v41 =	vadd.s32 v6, v40  }
0x1ae: {  	[tilespmem:s26], [sflag:$0x2] =	stream.indirect_vreg.gather [hbm4b:s14+s2], $0x80, v22, vm1, $0xb8;
	[tilespmem:$0x1D000] =	vst v63  }
0x1af: {  	s9 =	simm.s32 $0x1B900;
	v44 =	vperm.xlane v20, v10;
	v43 =	vadd.s32 v6, v42  }
0x1b0: {  	[tilespmem:s9], [sflag:$0x2] =	stream.indirect_vreg.gather [hbm4b:s14+s2], $0x80, v23, vm1, $0xb8;
	[tilespmem:$0x1D000] =	vst v63  }
0x1b1: {  	s19 =	simm.s32 $0x1B980;
	v46 =	vperm.xlane v20, v11;
	v45 =	vadd.s32 v6, v44  }
0x1b2: {  	[tilespmem:s19], [sflag:$0x2] =	stream.indirect_vreg.gather [hbm4b:s14+s2], $0x80, v41, vm1, $0xb8;
	[tilespmem:$0x1D000] =	vst v63  }
0x1b3: {  	v48 =	vperm.xlane v20, v1;
	v47 =	vadd.s32 v6, v46;
	s23 =	simm.s32 $0x1BA00  }
0x1b4: {  	[tilespmem:s23], [sflag:$0x2] =	stream.indirect_vreg.gather [hbm4b:s14+s2], $0x80, v43, vm1, $0xb8;
	[tilespmem:$0x1D000] =	vst v63  }
0x1b5: {  	v50 =	vperm.xlane v20, v12;
	v49 =	vadd.s32 v6, v48;
	s26 =	simm.s32 $0x1BA80  }
0x1b6: {  	[tilespmem:s26], [sflag:$0x2] =	stream.indirect_vreg.gather [hbm4b:s14+s2], $0x80, v45, vm1, $0xb8;
	[tilespmem:$0x1D000] =	vst v63  }
0x1b7: {  	v52 =	vperm.xlane v20, v13;
	v51 =	vadd.s32 v6, v50;
	s9 =	simm.s32 $0x1BB00  }
0x1b8: {  	[tilespmem:s9], [sflag:$0x2] =	stream.indirect_vreg.gather [hbm4b:s14+s2], $0x80, v47, vm1, $0xb8;
	[tilespmem:$0x1D000] =	vst v63  }
0x1b9: {  	v54 =	vperm.xlane v20, v14;
	v53 =	vadd.s32 v6, v52;
	s19 =	simm.s32 $0x1BB80  }
0x1ba: {  	[tilespmem:s19], [sflag:$0x2] =	stream.indirect_vreg.gather [hbm4b:s14+s2], $0x80, v49, vm1, $0xb8;
	[tilespmem:$0x1D000] =	vst v63  }
0x1bb: {  	v56 =	vperm.xlane v20, v15;
	v55 =	vadd.s32 v6, v54;
	s23 =	simm.s32 $0x1BC00  }
0x1bc: {  	[tilespmem:s23], [sflag:$0x2] =	stream.indirect_vreg.gather [hbm4b:s14+s2], $0x80, v51, vm1, $0xb8;
	[tilespmem:$0x1D000] =	vst v63  }
0x1bd: {  	v58 =	vperm.xlane v20, v16;
	v57 =	vadd.s32 v6, v56;
	s26 =	simm.s32 $0x1BC80  }
0x1be: {  	[tilespmem:s26], [sflag:$0x2] =	stream.indirect_vreg.gather [hbm4b:s14+s2], $0x80, v53, vm1, $0xb8;
	[tilespmem:$0x1D000] =	vst v63  }
0x1bf: {  	v60 =	vperm.xlane v20, v17;
	v59 =	vadd.s32 v6, v58;
	s9 =	simm.s32 $0x1BD00  }
0x1c0: {  	[tilespmem:s9], [sflag:$0x2] =	stream.indirect_vreg.gather [hbm4b:s14+s2], $0x80, v55, vm1, $0xb8;
	[tilespmem:$0x1D000] =	vst v63  }
0x1c1: {  	v62 =	vperm.xlane v20, v18;
	v61 =	vadd.s32 v6, v60;
	s19 =	simm.s32 $0x1BD80  }
0x1c2: {  	[tilespmem:s19], [sflag:$0x2] =	stream.indirect_vreg.gather [hbm4b:s14+s2], $0x80, v57, vm1, $0xb8;
	[tilespmem:$0x1D000] =	vst v63  }
0x1c3: {  	v20 =	vperm.xlane v20, v19;
	v63 =	vadd.s32 v6, v62;
	s23 =	simm.s32 $0x1BE00  }
0x1c4: {  	[tilespmem:s23], [sflag:$0x2] =	stream.indirect_vreg.gather [hbm4b:s14+s2], $0x80, v59, vm1, $0xb8;
	[tilespmem:$0x1D000] =	vst v63  }
0x1c5: {  	s8 =	simm.s32 $0x1C000;
	v20 =	vadd.s32 v6, v20;
	s26 =	simm.s32 $0x1BE80;
	s23 =	rddreg [dreg:$0x4]  }
0x1c6: {  	[tilespmem:s26], [sflag:$0x2] =	stream.indirect_vreg.gather [hbm4b:s14+s2], $0x80, v61, vm1, $0xb8;
	[tilespmem:$0x1D000] =	vst v63  }
0x1c7: {  	s9 =	simm.s32 $0x1BF00;
	s3 =	sor.u32 s23, s16;
	s26 =	sadd.s32 $0xFFFFFFFC, s28  }
0x1c8: {  	[tilespmem:s9], [sflag:$0x2] =	stream.indirect_vreg.gather [hbm4b:s14+s2], $0x80, v63, vm1, $0xb8;
	[tilespmem:$0x1D000] =	vst v63  }
0x1c9: {  	s19 =	simm.s32 $0x1BF80;
	s16 =	smul.u32 $0xE0000, s3;
	s9 =	sand.u32 $0x38, s26  }
0x1ca: {  	[tilespmem:s19], [sflag:$0x2] =	stream.indirect_vreg.gather [hbm4b:s14+s2], $0x80, v20, vm1, $0xb8;
	[tilespmem:$0x1D000] =	vst v63  }
0x1cb: {  	s23 =	rddreg [dreg:$0xa];
	s26 =	smul.u32 $0x3800, s9;
	s19 =	simm.s32 $0x20  }
0x1cc: {  	[tilespmem:s8], [sflag:$0x2] =	stream.indirect.gather [hbm4b:s23+s19], $0x80, s17, s19, $0xb8;
	[tilespmem:$0x1D000] =	vst v63  }
0x1cd: {  	s8 =	sadd.s32 s26, s16  }
0x1ce: {  	s17 =	sshrl.u32 s8, $0x3  }
0x1cf: {  	s19 =	sadd.s32 s5, s17  }
0x1d0: {  	[hbm4b:s19+s20] =	stream.strided.scatter [tilespmem:s20], [sflag:$0x3], $0x4000, s25, s20, $0x38;
	[tilespmem:$0x1D000] =	vst v63  }
0x1d1: {  	s8 =	simm.s32 $0x5000;
	s23 =	sadd.s32 s17, s15  }
0x1d2: {  	[hbm4b:s23+s20] =	stream.strided.scatter [tilespmem:s8], [sflag:$0x3], $0x4000, s25, s20, $0x38;
	[tilespmem:$0x1D000] =	vst v63  }
0x1d3: {  	s9 =	sshll.u32 s9, $0x7;
	s23 =	rddreg [dreg:$0x7]  }
0x1d4: {  	s8 =	simm.s32 $0x9000;
	s26 =	sadd.s32 s17, s23;
	s23 =	rddreg [dreg:$0x8]  }
0x1d5: {  	[hbm4b:s26+s20] =	stream.strided.scatter [tilespmem:s8], [sflag:$0x3], $0x4000, s25, s20, $0x38;
	[tilespmem:$0x1D000] =	vst v63  }
0x1d6: {  	s17 =	sadd.s32 s17, s23;
	s26 =	simm.s32 $0x400;
	s8 =	simm.s32 $0xD000  }
0x1d7: {  	[hbm4b:s17+s26] =	stream.strided.scatter [tilespmem:s8], [sflag:$0x3], $0x1000, s25, s26, $0x38;
	[tilespmem:$0x1D000] =	vst v63  }
0x1d8: {  	s19 =	sadd.s32 s6, s9;
	s17 =	sshll.u32 s3, $0xD  }
0x1d9: {  	s23 =	simm.s32 $0xE000;
	s3 =	sadd.s32 s17, s19  }
0x1da: {  	[hbm4b:s3+s2] =	stream.linear.scatter [tilespmem:s23], [sflag:$0x3], $0x1000, $0x38;
	[tilespmem:$0x1D000] =	vst v63  }
0x1db: {  	_ =	swait.ge [sflag:s10], $0x4000  }
0x1dc: {  	[sflag:s10] =	ssyncset.done $0x0  }
0x1dd: {  	[sflag:s10] =	ssyncadd.s32 $0xFFFFC000  }
0x1de: {  	_ =	swait.ge [sflag:s10], $0x4000  }
0x1df: {  	[sflag:s10] =	ssyncset.done $0x0  }
0x1e0: {  	[sflag:s10] =	ssyncadd.s32 $0xFFFFC000  }
0x1e1: {  	_ =	swait.ge [sflag:s10], $0x4000  }
0x1e2: {  	[sflag:s10] =	ssyncset.done $0x0  }
0x1e3: {  	[sflag:s10] =	ssyncadd.s32 $0xFFFFC000  }
0x1e4: {  	p0 =	seq.s32 s30, $0x1E00;
	_ =	swait.ge [sflag:s10], $0x1000  }
.Ltmp4:
0x1e5: {  	[sflag:s10] =	ssyncset.done $0x0;
	(pc) =	sbr.rel @p0 .LBB2_4-.Ltmp4, $4  }
0x1e6: {  	[sflag:s10] =	ssyncadd.s32 $0xFFFFF000  }
0x1e7: {  	_ =	swait.ge [sflag:s10], $0x1000  }
0x1e8: {  	[sflag:s10] =	ssyncset.done $0x0  }
0x1e9: {  	[sflag:s10] =	ssyncadd.s32 $0xFFFFF000  }
0x1ea: {  	_ =	swait.ge [sflag:s18], $0x4000  }
0x1eb: {  	[sflag:s18] =	ssyncset.done $0x0  }
0x1ec: {  	[sflag:s18] =	ssyncadd.s32 $0xFFFFC000  }
0x1ed: {  	_ =	swait.ge [sflag:s18], $0x4000  }
0x1ee: {  	[sflag:s18] =	ssyncset.done $0x0  }
0x1ef: {  	[sflag:s18] =	ssyncadd.s32 $0xFFFFC000  }
0x1f0: {  	_ =	swait.ge [sflag:s18], $0x4000  }
0x1f1: {  	[sflag:s18] =	ssyncset.done $0x0  }
0x1f2: {  	s3 =	sshrl.u32 s0, $0x4;
	[sflag:s18] =	ssyncadd.s32 $0xFFFFC000  }
0x1f3: {  	s26 =	sadd.s32 $0x200, s30;
	s3 =	sadd.s32 s4, s3;
	_ =	swait.ge [sflag:s18], $0x1000  }
0x1f4: {  	s26 =	sand.u32 $0xC00, s26;
	s9 =	sshll.u32 s3, $0x9;
	[sflag:s18] =	ssyncset.done $0x0  }
0x1f5: {  	s3 =	sshll.u32 s3, $0x7;
	s9 =	sand.u32 $0x7FFFF000, s9;
	[sflag:s18] =	ssyncadd.s32 $0xFFFFF000  }
0x1f6: {  	s3 =	sand.u32 $0x380, s3;
	s9 =	sor.u32 s26, s9;
	_ =	swait.ge [sflag:s18], $0x1000  }
0x1f7: {  	s19 =	sand.u32 $0x40, s21;
	s3 =	sor.u32 s3, s9;
	[sflag:s18] =	ssyncset.done $0x0  }
0x1f8: {  	s3 =	sor.u32 s19, s3;
	[sflag:s18] =	ssyncadd.s32 $0xFFFFF000  }
0x1f9: {  	v20 =	vld [tilespmem:s3+$0x0];
	_ =	sdelay $0x4  }
0x1fa: {  	v21 =	vshrl.u32 v20, $0x3  }
0x1fb: {  	v21 =	vmul.u32 $0x70, v21  }
0x1fc: {  	v20 =	vand.u32 $0x7, v20  }
0x1fd: {  	v20 =	vor.u32 v20, v21  }
0x1fe: {  	v21 =	vperm.xlane v20, v0;
	_ =	sdelay $0x1  }
0x1ff: {  	v21 =	vadd.s32 v2, v21;
	_ =	sdelay $0x1  }
0x200: {  	v20 =	vperm.xlane v20, v4;
	_ =	sdelay $0x1  }
0x201: {  	v20 =	vadd.s32 v2, v20  }
0x202: {  	[tilespmem:s20], [sflag:$0x1] =	stream.indirect_vreg.gather [hbm4b:s1+s2], $0x80, v21, vm0, $0xb8;
	[tilespmem:$0x1D000] =	vst v63  }
0x203: {  	s23 =	simm.s32 $0x1800  }
0x204: {  	[tilespmem:s23], [sflag:$0x1] =	stream.indirect_vreg.gather [hbm4b:s11+s2], $0x80, v21, vm0, $0xb8;
	[tilespmem:$0x1D000] =	vst v63  }
0x205: {  	s8 =	simm.s32 $0x2000  }
0x206: {  	[tilespmem:s8], [sflag:$0x1] =	stream.indirect_vreg.gather [hbm4b:s1+s2], $0x80, v20, vm0, $0xb8;
	[tilespmem:$0x1D000] =	vst v63  }
0x207: {  	s19 =	simm.s32 $0x2800  }
0x208: {  	[tilespmem:s19], [sflag:$0x1] =	stream.indirect_vreg.gather [hbm4b:s11+s2], $0x80, v20, vm0, $0xb8;
	[tilespmem:$0x1D000] =	vst v63  }
0x209: {  	v20 =	vld [tilespmem:s3+$0x10];
	_ =	sdelay $0x4  }
0x20a: {  	v44 =	vshrl.u32 v20, $0x3  }
0x20b: {  	v21 =	vmul.u32 $0x70, v44  }
0x20c: {  	v20 =	vand.u32 $0x7, v20  }
0x20d: {  	v20 =	vor.u32 v20, v21  }
0x20e: {  	v21 =	vperm.xlane v20, v0;
	_ =	sdelay $0x1  }
0x20f: {  	v21 =	vadd.s32 v2, v21;
	_ =	sdelay $0x1  }
0x210: {  	v20 =	vperm.xlane v20, v4;
	_ =	sdelay $0x1  }
0x211: {  	s23 =	simm.s32 $0x3000;
	v20 =	vadd.s32 v2, v20  }
0x212: {  	[tilespmem:s23], [sflag:$0x1] =	stream.indirect_vreg.gather [hbm4b:s1+s2], $0x80, v21, vm0, $0xb8;
	[tilespmem:$0x1D000] =	vst v63  }
0x213: {  	_ = 	snop  }
0x214: {  	[tilespmem:s25], [sflag:$0x1] =	stream.indirect_vreg.gather [hbm4b:s11+s2], $0x80, v21, vm0, $0xb8;
	[tilespmem:$0x1D000] =	vst v63  }
0x215: {  	s8 =	simm.s32 $0x4000  }
0x216: {  	[tilespmem:s8], [sflag:$0x1] =	stream.indirect_vreg.gather [hbm4b:s1+s2], $0x80, v20, vm0, $0xb8;
	[tilespmem:$0x1D000] =	vst v63  }
0x217: {  	s19 =	simm.s32 $0x4800  }
0x218: {  	[tilespmem:s19], [sflag:$0x1] =	stream.indirect_vreg.gather [hbm4b:s11+s2], $0x80, v20, vm0, $0xb8;
	[tilespmem:$0x1D000] =	vst v63  }
0x219: {  	v20 =	vld [tilespmem:s3+$0x0];
	_ =	sdelay $0x4  }
0x21a: {  	v45 =	vshrl.u32 v20, $0x3  }
0x21b: {  	v21 =	vmul.u32 $0x70, v45  }
0x21c: {  	v20 =	vand.u32 $0x7, v20  }
0x21d: {  	v20 =	vor.u32 v20, v21  }
0x21e: {  	v21 =	vperm.xlane v20, v0;
	_ =	sdelay $0x1  }
0x21f: {  	v21 =	vadd.s32 v2, v21;
	_ =	sdelay $0x1  }
0x220: {  	v20 =	vperm.xlane v20, v4;
	_ =	sdelay $0x1  }
0x221: {  	s23 =	simm.s32 $0x5000;
	v20 =	vadd.s32 v2, v20  }
0x222: {  	[tilespmem:s23], [sflag:$0x1] =	stream.indirect_vreg.gather [hbm4b:s12+s2], $0x80, v21, vm0, $0xb8;
	[tilespmem:$0x1D000] =	vst v63  }
0x223: {  	s8 =	simm.s32 $0x5800  }
0x224: {  	[tilespmem:s8], [sflag:$0x1] =	stream.indirect_vreg.gather [hbm4b:s22+s2], $0x80, v21, vm0, $0xb8;
	[tilespmem:$0x1D000] =	vst v63  }
0x225: {  	s19 =	simm.s32 $0x6000  }
0x226: {  	[tilespmem:s19], [sflag:$0x1] =	stream.indirect_vreg.gather [hbm4b:s12+s2], $0x80, v20, vm0, $0xb8;
	[tilespmem:$0x1D000] =	vst v63  }
0x227: {  	s23 =	simm.s32 $0x6800  }
0x228: {  	[tilespmem:s23], [sflag:$0x1] =	stream.indirect_vreg.gather [hbm4b:s22+s2], $0x80, v20, vm0, $0xb8;
	[tilespmem:$0x1D000] =	vst v63  }
0x229: {  	v20 =	vld [tilespmem:s3+$0x10];
	_ =	sdelay $0x4  }
0x22a: {  	v46 =	vshrl.u32 v20, $0x3  }
0x22b: {  	v21 =	vmul.u32 $0x70, v46  }
0x22c: {  	v20 =	vand.u32 $0x7, v20  }
0x22d: {  	v20 =	vor.u32 v20, v21  }
0x22e: {  	v21 =	vperm.xlane v20, v0;
	_ =	sdelay $0x1  }
0x22f: {  	v21 =	vadd.s32 v2, v21;
	_ =	sdelay $0x1  }
0x230: {  	v20 =	vperm.xlane v20, v4;
	_ =	sdelay $0x1  }
0x231: {  	s8 =	simm.s32 $0x7000;
	v20 =	vadd.s32 v2, v20  }
0x232: {  	[tilespmem:s8], [sflag:$0x1] =	stream.indirect_vreg.gather [hbm4b:s12+s2], $0x80, v21, vm0, $0xb8;
	[tilespmem:$0x1D000] =	vst v63  }
0x233: {  	s19 =	simm.s32 $0x7800  }
0x234: {  	[tilespmem:s19], [sflag:$0x1] =	stream.indirect_vreg.gather [hbm4b:s22+s2], $0x80, v21, vm0, $0xb8;
	[tilespmem:$0x1D000] =	vst v63  }
0x235: {  	s23 =	simm.s32 $0x8000  }
0x236: {  	[tilespmem:s23], [sflag:$0x1] =	stream.indirect_vreg.gather [hbm4b:s12+s2], $0x80, v20, vm0, $0xb8;
	[tilespmem:$0x1D000] =	vst v63  }
0x237: {  	s8 =	simm.s32 $0x8800  }
0x238: {  	[tilespmem:s8], [sflag:$0x1] =	stream.indirect_vreg.gather [hbm4b:s22+s2], $0x80, v20, vm0, $0xb8;
	[tilespmem:$0x1D000] =	vst v63  }
0x239: {  	v20 =	vld [tilespmem:s3+$0x0];
	_ =	sdelay $0x4  }
0x23a: {  	v47 =	vshrl.u32 v20, $0x3  }
0x23b: {  	v21 =	vmul.u32 $0x70, v47  }
0x23c: {  	v20 =	vand.u32 $0x7, v20  }
0x23d: {  	v20 =	vor.u32 v20, v21  }
0x23e: {  	v21 =	vperm.xlane v20, v0;
	_ =	sdelay $0x1  }
0x23f: {  	v21 =	vadd.s32 v2, v21;
	_ =	sdelay $0x1  }
0x240: {  	v20 =	vperm.xlane v20, v4;
	_ =	sdelay $0x1  }
0x241: {  	s19 =	simm.s32 $0x9000;
	v20 =	vadd.s32 v2, v20  }
0x242: {  	[tilespmem:s19], [sflag:$0x1] =	stream.indirect_vreg.gather [hbm4b:s13+s2], $0x80, v21, vm0, $0xb8;
	[tilespmem:$0x1D000] =	vst v63  }
0x243: {  	s23 =	simm.s32 $0x9800  }
0x244: {  	[tilespmem:s23], [sflag:$0x1] =	stream.indirect_vreg.gather [hbm4b:s29+s2], $0x80, v21, vm0, $0xb8;
	[tilespmem:$0x1D000] =	vst v63  }
0x245: {  	s8 =	simm.s32 $0xA000  }
0x246: {  	[tilespmem:s8], [sflag:$0x1] =	stream.indirect_vreg.gather [hbm4b:s13+s2], $0x80, v20, vm0, $0xb8;
	[tilespmem:$0x1D000] =	vst v63  }
0x247: {  	s19 =	simm.s32 $0xA800  }
0x248: {  	[tilespmem:s19], [sflag:$0x1] =	stream.indirect_vreg.gather [hbm4b:s29+s2], $0x80, v20, vm0, $0xb8;
	[tilespmem:$0x1D000] =	vst v63  }
0x249: {  	v20 =	vld [tilespmem:s3+$0x10];
	_ =	sdelay $0x4  }
0x24a: {  	v48 =	vshrl.u32 v20, $0x3  }
0x24b: {  	v21 =	vmul.u32 $0x70, v48  }
0x24c: {  	v20 =	vand.u32 $0x7, v20  }
0x24d: {  	v20 =	vor.u32 v20, v21  }
0x24e: {  	v21 =	vperm.xlane v20, v0;
	_ =	sdelay $0x1  }
0x24f: {  	v21 =	vadd.s32 v2, v21;
	_ =	sdelay $0x1  }
0x250: {  	v20 =	vperm.xlane v20, v4;
	_ =	sdelay $0x1  }
0x251: {  	s23 =	simm.s32 $0xB000;
	v20 =	vadd.s32 v2, v20  }
0x252: {  	[tilespmem:s23], [sflag:$0x1] =	stream.indirect_vreg.gather [hbm4b:s13+s2], $0x80, v21, vm0, $0xb8;
	[tilespmem:$0x1D000] =	vst v63  }
0x253: {  	s8 =	simm.s32 $0xB800  }
0x254: {  	[tilespmem:s8], [sflag:$0x1] =	stream.indirect_vreg.gather [hbm4b:s29+s2], $0x80, v21, vm0, $0xb8;
	[tilespmem:$0x1D000] =	vst v63  }
0x255: {  	s19 =	simm.s32 $0xC000  }
0x256: {  	[tilespmem:s19], [sflag:$0x1] =	stream.indirect_vreg.gather [hbm4b:s13+s2], $0x80, v20, vm0, $0xb8;
	[tilespmem:$0x1D000] =	vst v63  }
0x257: {  	s23 =	simm.s32 $0xC800  }
0x258: {  	[tilespmem:s23], [sflag:$0x1] =	stream.indirect_vreg.gather [hbm4b:s29+s2], $0x80, v20, vm0, $0xb8;
	[tilespmem:$0x1D000] =	vst v63  }
0x259: {  	v20 =	vld [tilespmem:s3+$0x0];
	_ =	sdelay $0x4  }
0x25a: {  	v49 =	vshrl.u32 v20, $0x3  }
0x25b: {  	v21 =	vmul.u32 $0x70, v49  }
0x25c: {  	v20 =	vand.u32 $0x7, v20  }
0x25d: {  	v20 =	vor.u32 v20, v21  }
0x25e: {  	v21 =	vperm.xlane v20, v5;
	_ =	sdelay $0x1  }
0x25f: {  	v22 =	vperm.xlane v20, v7;
	v21 =	vadd.s32 v6, v21;
	_ =	sdelay $0x1  }
0x260: {  	v23 =	vperm.xlane v20, v8;
	v22 =	vadd.s32 v6, v22;
	_ =	sdelay $0x1  }
0x261: {  	s8 =	simm.s32 $0xD000;
	v24 =	vperm.xlane v20, v3;
	v23 =	vadd.s32 v6, v23  }
0x262: {  	[tilespmem:s8], [sflag:$0x1] =	stream.indirect_vreg.gather [hbm4b:s14+s2], $0x80, v21, vm1, $0xb8;
	[tilespmem:$0x1D000] =	vst v63  }
0x263: {  	s19 =	simm.s32 $0xD080;
	v51 =	vperm.xlane v20, v9;
	v50 =	vadd.s32 v6, v24  }
0x264: {  	[tilespmem:s19], [sflag:$0x1] =	stream.indirect_vreg.gather [hbm4b:s14+s2], $0x80, v22, vm1, $0xb8;
	[tilespmem:$0x1D000] =	vst v63  }
0x265: {  	s23 =	simm.s32 $0xD100;
	v53 =	vperm.xlane v20, v10;
	v52 =	vadd.s32 v6, v51  }
0x266: {  	[tilespmem:s23], [sflag:$0x1] =	stream.indirect_vreg.gather [hbm4b:s14+s2], $0x80, v23, vm1, $0xb8;
	[tilespmem:$0x1D000] =	vst v63  }
0x267: {  	v55 =	vperm.xlane v20, v11;
	v54 =	vadd.s32 v6, v53;
	s8 =	simm.s32 $0xD180  }
0x268: {  	[tilespmem:s8], [sflag:$0x1] =	stream.indirect_vreg.gather [hbm4b:s14+s2], $0x80, v50, vm1, $0xb8;
	[tilespmem:$0x1D000] =	vst v63  }
0x269: {  	v57 =	vperm.xlane v20, v1;
	v56 =	vadd.s32 v6, v55;
	s19 =	simm.s32 $0xD200  }
0x26a: {  	[tilespmem:s19], [sflag:$0x1] =	stream.indirect_vreg.gather [hbm4b:s14+s2], $0x80, v52, vm1, $0xb8;
	[tilespmem:$0x1D000] =	vst v63  }
0x26b: {  	v59 =	vperm.xlane v20, v12;
	v58 =	vadd.s32 v6, v57;
	s23 =	simm.s32 $0xD280  }
0x26c: {  	[tilespmem:s23], [sflag:$0x1] =	stream.indirect_vreg.gather [hbm4b:s14+s2], $0x80, v54, vm1, $0xb8;
	[tilespmem:$0x1D000] =	vst v63  }
0x26d: {  	v61 =	vperm.xlane v20, v13;
	v60 =	vadd.s32 v6, v59;
	s8 =	simm.s32 $0xD300  }
0x26e: {  	[tilespmem:s8], [sflag:$0x1] =	stream.indirect_vreg.gather [hbm4b:s14+s2], $0x80, v56, vm1, $0xb8;
	[tilespmem:$0x1D000] =	vst v63  }
0x26f: {  	v63 =	vperm.xlane v20, v14;
	v62 =	vadd.s32 v6, v61;
	s19 =	simm.s32 $0xD380  }
0x270: {  	[tilespmem:s19], [sflag:$0x1] =	stream.indirect_vreg.gather [hbm4b:s14+s2], $0x80, v58, vm1, $0xb8;
	[tilespmem:$0x1D000] =	vst v63  }
0x271: {  	v29 =	vperm.xlane v20, v15;
	v28 =	vadd.s32 v6, v63;
	s23 =	simm.s32 $0xD400  }
0x272: {  	[tilespmem:s23], [sflag:$0x1] =	stream.indirect_vreg.gather [hbm4b:s14+s2], $0x80, v60, vm1, $0xb8;
	[tilespmem:$0x1D000] =	vst v63  }
0x273: {  	v31 =	vperm.xlane v20, v16;
	v30 =	vadd.s32 v6, v29;
	s8 =	simm.s32 $0xD480  }
0x274: {  	[tilespmem:s8], [sflag:$0x1] =	stream.indirect_vreg.gather [hbm4b:s14+s2], $0x80, v62, vm1, $0xb8;
	[tilespmem:$0x1D000] =	vst v63  }
0x275: {  	v33 =	vperm.xlane v20, v17;
	v32 =	vadd.s32 v6, v31;
	s19 =	simm.s32 $0xD500  }
0x276: {  	[tilespmem:s19], [sflag:$0x1] =	stream.indirect_vreg.gather [hbm4b:s14+s2], $0x80, v28, vm1, $0xb8;
	[tilespmem:$0x1D000] =	vst v63  }
0x277: {  	v35 =	vperm.xlane v20, v18;
	v34 =	vadd.s32 v6, v33;
	s23 =	simm.s32 $0xD580  }
0x278: {  	[tilespmem:s23], [sflag:$0x1] =	stream.indirect_vreg.gather [hbm4b:s14+s2], $0x80, v30, vm1, $0xb8;
	[tilespmem:$0x1D000] =	vst v63  }
0x279: {  	v20 =	vperm.xlane v20, v19;
	v36 =	vadd.s32 v6, v35;
	s8 =	simm.s32 $0xD600  }
0x27a: {  	[tilespmem:s8], [sflag:$0x1] =	stream.indirect_vreg.gather [hbm4b:s14+s2], $0x80, v32, vm1, $0xb8;
	[tilespmem:$0x1D000] =	vst v63  }
0x27b: {  	v20 =	vadd.s32 v6, v20;
	s19 =	simm.s32 $0xD680  }
0x27c: {  	[tilespmem:s19], [sflag:$0x1] =	stream.indirect_vreg.gather [hbm4b:s14+s2], $0x80, v34, vm1, $0xb8;
	[tilespmem:$0x1D000] =	vst v63  }
0x27d: {  	s23 =	simm.s32 $0xD700  }
0x27e: {  	[tilespmem:s23], [sflag:$0x1] =	stream.indirect_vreg.gather [hbm4b:s14+s2], $0x80, v36, vm1, $0xb8;
	[tilespmem:$0x1D000] =	vst v63  }
0x27f: {  	s8 =	simm.s32 $0xD780  }
0x280: {  	[tilespmem:s8], [sflag:$0x1] =	stream.indirect_vreg.gather [hbm4b:s14+s2], $0x80, v20, vm1, $0xb8;
	[tilespmem:$0x1D000] =	vst v63  }
0x281: {  	v20 =	vld [tilespmem:s3+$0x10];
	_ =	sdelay $0x4  }
0x282: {  	v37 =	vshrl.u32 v20, $0x3  }
0x283: {  	v21 =	vmul.u32 $0x70, v37  }
0x284: {  	v20 =	vand.u32 $0x7, v20  }
0x285: {  	v20 =	vor.u32 v20, v21  }
0x286: {  	v21 =	vperm.xlane v20, v5;
	_ =	sdelay $0x1  }
0x287: {  	v38 =	vperm.xlane v20, v7;
	v21 =	vadd.s32 v6, v21;
	_ =	sdelay $0x1  }
0x288: {  	v39 =	vperm.xlane v20, v8;
	v22 =	vadd.s32 v6, v38;
	_ =	sdelay $0x1  }
0x289: {  	s19 =	simm.s32 $0xD800;
	v40 =	vperm.xlane v20, v3;
	v23 =	vadd.s32 v6, v39  }
0x28a: {  	[tilespmem:s19], [sflag:$0x1] =	stream.indirect_vreg.gather [hbm4b:s14+s2], $0x80, v21, vm1, $0xb8;
	[tilespmem:$0x1D000] =	vst v63  }
0x28b: {  	s23 =	simm.s32 $0xD880;
	v42 =	vperm.xlane v20, v9;
	v41 =	vadd.s32 v6, v40  }
0x28c: {  	[tilespmem:s23], [sflag:$0x1] =	stream.indirect_vreg.gather [hbm4b:s14+s2], $0x80, v22, vm1, $0xb8;
	[tilespmem:$0x1D000] =	vst v63  }
0x28d: {  	s8 =	simm.s32 $0xD900;
	v44 =	vperm.xlane v20, v10;
	v43 =	vadd.s32 v6, v42  }
0x28e: {  	[tilespmem:s8], [sflag:$0x1] =	stream.indirect_vreg.gather [hbm4b:s14+s2], $0x80, v23, vm1, $0xb8;
	[tilespmem:$0x1D000] =	vst v63  }
0x28f: {  	v46 =	vperm.xlane v20, v11;
	v45 =	vadd.s32 v6, v44;
	s19 =	simm.s32 $0xD980  }
0x290: {  	[tilespmem:s19], [sflag:$0x1] =	stream.indirect_vreg.gather [hbm4b:s14+s2], $0x80, v41, vm1, $0xb8;
	[tilespmem:$0x1D000] =	vst v63  }
0x291: {  	v48 =	vperm.xlane v20, v1;
	v47 =	vadd.s32 v6, v46;
	s23 =	simm.s32 $0xDA00  }
0x292: {  	[tilespmem:s23], [sflag:$0x1] =	stream.indirect_vreg.gather [hbm4b:s14+s2], $0x80, v43, vm1, $0xb8;
	[tilespmem:$0x1D000] =	vst v63  }
0x293: {  	v50 =	vperm.xlane v20, v12;
	v49 =	vadd.s32 v6, v48;
	s8 =	simm.s32 $0xDA80  }
0x294: {  	[tilespmem:s8], [sflag:$0x1] =	stream.indirect_vreg.gather [hbm4b:s14+s2], $0x80, v45, vm1, $0xb8;
	[tilespmem:$0x1D000] =	vst v63  }
0x295: {  	v52 =	vperm.xlane v20, v13;
	v51 =	vadd.s32 v6, v50;
	s19 =	simm.s32 $0xDB00  }
0x296: {  	[tilespmem:s19], [sflag:$0x1] =	stream.indirect_vreg.gather [hbm4b:s14+s2], $0x80, v47, vm1, $0xb8;
	[tilespmem:$0x1D000] =	vst v63  }
0x297: {  	v54 =	vperm.xlane v20, v14;
	v53 =	vadd.s32 v6, v52;
	s23 =	simm.s32 $0xDB80  }
0x298: {  	[tilespmem:s23], [sflag:$0x1] =	stream.indirect_vreg.gather [hbm4b:s14+s2], $0x80, v49, vm1, $0xb8;
	[tilespmem:$0x1D000] =	vst v63  }
0x299: {  	v56 =	vperm.xlane v20, v15;
	v55 =	vadd.s32 v6, v54;
	s8 =	simm.s32 $0xDC00  }
0x29a: {  	[tilespmem:s8], [sflag:$0x1] =	stream.indirect_vreg.gather [hbm4b:s14+s2], $0x80, v51, vm1, $0xb8;
	[tilespmem:$0x1D000] =	vst v63  }
0x29b: {  	v58 =	vperm.xlane v20, v16;
	v57 =	vadd.s32 v6, v56;
	s19 =	simm.s32 $0xDC80  }
0x29c: {  	[tilespmem:s19], [sflag:$0x1] =	stream.indirect_vreg.gather [hbm4b:s14+s2], $0x80, v53, vm1, $0xb8;
	[tilespmem:$0x1D000] =	vst v63  }
0x29d: {  	v60 =	vperm.xlane v20, v17;
	v59 =	vadd.s32 v6, v58;
	s23 =	simm.s32 $0xDD00  }
0x29e: {  	[tilespmem:s23], [sflag:$0x1] =	stream.indirect_vreg.gather [hbm4b:s14+s2], $0x80, v55, vm1, $0xb8;
	[tilespmem:$0x1D000] =	vst v63  }
0x29f: {  	v62 =	vperm.xlane v20, v18;
	v61 =	vadd.s32 v6, v60;
	s8 =	simm.s32 $0xDD80  }
0x2a0: {  	[tilespmem:s8], [sflag:$0x1] =	stream.indirect_vreg.gather [hbm4b:s14+s2], $0x80, v57, vm1, $0xb8;
	[tilespmem:$0x1D000] =	vst v63  }
0x2a1: {  	v63 =	vadd.s32 v6, v62;
	s19 =	simm.s32 $0xDE00  }
0x2a2: {  	v20 =	vperm.xlane v20, v19;
	[tilespmem:s19], [sflag:$0x1] =	stream.indirect_vreg.gather [hbm4b:s14+s2], $0x80, v59, vm1, $0xb8;
	[tilespmem:$0x1D000] =	vst v63  }
0x2a3: {  	s23 =	simm.s32 $0xDE80  }
0x2a4: {  	v20 =	vadd.s32 v6, v20;
	[tilespmem:s23], [sflag:$0x1] =	stream.indirect_vreg.gather [hbm4b:s14+s2], $0x80, v61, vm1, $0xb8;
	[tilespmem:$0x1D000] =	vst v63  }
0x2a5: {  	s8 =	simm.s32 $0xDF00  }
0x2a6: {  	[tilespmem:s8], [sflag:$0x1] =	stream.indirect_vreg.gather [hbm4b:s14+s2], $0x80, v63, vm1, $0xb8;
	[tilespmem:$0x1D000] =	vst v63  }
.Ltmp5:
0x2a7: {  	_ = 	snop;
	(pc) =	sbr.rel .LBB2_4-.Ltmp5, $4  }
0x2a8: {  	s26 =	simm.s32 $0x400;
	s19 =	simm.s32 $0xDF80  }
0x2a9: {  	[tilespmem:s19], [sflag:$0x1] =	stream.indirect_vreg.gather [hbm4b:s14+s2], $0x80, v20, vm1, $0xb8;
	[tilespmem:$0x1D000] =	vst v63  }
0x2aa: {  	s23 =	simm.s32 $0x20;
	s8 =	rddreg [dreg:$0xa];
	s19 =	simm.s32 $0xE000  }
0x2ab: {  	[tilespmem:s19], [sflag:$0x1] =	stream.indirect.gather [hbm4b:s8+s23], $0x80, s3, s23, $0xb8;
	[tilespmem:$0x1D000] =	vst v63  }
.LBB2_6:
0x2ac: {  	_ =	sfence.sel $0x180000  }
0x2ad: {  	[bflag:$0x0] =	sbarrier.arrive $0xFFFF  }
0x2ae: {  	_ =	strace $0x90000047  }
0x2af: {  	s0 =	stileid.u32;
	[bflag:$0x2] =	sbarrier.arrive $0xFFFF  }
0x2b0: {  	p0 =	sne.s32 s0, $0x0;
	s0 =	rddreg [dreg:$0x3]  }
0x2b1: {  	s0 =	sadd.s32 @!p0 $0x100000, s0  }
0x2b2: {  	[sflag:s0] =	ssyncadd.tile.s32 @!p0 $0x1;
	_ =	shalt  }
.Lfunc_end2:
_tile_overlayer_lowered:
.L_overlay_start_2:
0x2b3: {  	(tag) =	ssettag $0x2  }
0x2b4: {  	s0 =	rddreg [dreg:$0x0];
	s2 =	stileid.u32  }
0x2b5: {  	s1 =	rddreg [dreg:$0x1];
	p0 =	sne.s32 s2, $0x0  }
0x2b6: {  	s3 =	rddreg [dreg:$0x2];
	[bflag:$0x3] =	sbarrier.arrive $0xFFFF;
	s2 =	simm.s32 @!p0 $0x1C05  }
0x2b7: {  	[timem:s3], [sflag:s2] =	dma.local @!p0 [hbm:s0], s1  }
0x2b8: {  	s0 =	simm.s32 @!p0 $0x5  }
0x2b9: {  	_ =	swait.ge @!p0 [sflag:s0], s1  }
0x2ba: {  	s1 =	ssub.s32 @!p0 $0x0, s1;
	[sflag:s0] =	ssyncset.done @!p0 $0x0  }
0x2bb: {  	[sflag:s0] =	ssyncadd.s32 @!p0 s1  }
0x2bc: {  	[bflag:$0x3] =	sbarrier.arrive $0xFFFF  }
0x2bd: {  	_ =	shalt  }

// kernel: sparse-core-data-format-call.cloned.1.call-start
scs
called_computation_lowered:
.L_overlay_start_0:
0x0: {  	s2 =	sld [smem:$0x3FD9]  }
0x1: {  	s3 =	sld [smem:$0x3FFE];
	_ =	sdelay $0x1  }
0x2: {  	s1 =	srdreg.scid  }
0x3: {  	s0 =	sand.u32 $0x1, s1  }
0x4: {  	s18 =	sshll.u32 s0, $0xA;
	s2 =	sadd.s32 s3, s2  }
0x5: {  	s2 =	sadd.s32 s2, s18  }
0x6: {  	[smem:$0x3FC6] =	sst s2  }
0x7: {  	_ = 	snop  }
0x8: {  	s2 =	sld [smem:$0x3FD0];
	(tm) =	ssettm $0x1  }
0x9: {  	s19 =	sld [smem:$0x3FFB];
	_ =	sdelay $0x3  }
0xa: {  	_ =	strace s19  }
0xb: {  	s3 =	sld [smem:$0x3FFC];
	_ =	sdelay $0x3  }
0xc: {  	_ =	strace s3  }
0xd: {  	s3 =	sld [smem:$0x3FFD];
	_ =	sdelay $0x3  }
0xe: {  	_ =	strace s3  }
0xf: {  	_ =	strace $0x8FFFFFFF  }
0x10: {  	s20 =	sld [smem:$0x3FDB];
	_ =	sdelay $0x1  }
0x11: {  	s4 =	simm.s32 $_scs_section_size  }
0x12: {  	s5 =	simm.s32 $_size__tile_overlayer_lowered;
	s6 =	simm.s32 $_tile_overlayer_lowered  }
0x13: {  	s23 =	simm.s32 $0x1BFF;
	s22 =	sshll.u32 s6, $0x1;
	s3 =	sadd.s32 s4, s20  }
0x14: {  	s7 =	simm.s32 $0x0;
	s21 =	sshll.u32 s5, $0x1;
	s5 =	sadd.s32 s22, s3  }
0x15: {  	[timem:s7], [sflag:s23] =	dma.local [hbm:s5], s21  }
0x16: {  	_ =	swait.ge [sflag:s23], s21  }
0x17: {  	s4 =	ssub.s32 $0x0, s21;
	[sflag:s23] =	ssyncset.done $0x0  }
0x18: {  	[sflag:s23] =	ssyncadd.s32 s4;
	_ =	sdelay $0x1  }
0x19: {  	s24 =	simm.s32 $0x1B8B  }
0x1a: {  	_ =	swait.ge [sflag:s24], $0x1  }
0x1b: {  	[sflag:s24] =	ssyncset.done $0x0  }
0x1c: {  	s26 =	simm.s32 $0x1B8E;
	s25 =	sld [smem:$0x3FFE];
	[sflag:s24] =	ssyncadd.s32 $0xFFFFFFFF  }
0x1d: {  	s27 =	simm.s32 $execute0_lowered;
	[smem:$0x3FD2] =	sst s26  }
0x1e: {  	s5 =	sshll.u32 s27, $0x1;
	_ =	strace $0x80000049;
	[dreg:$0x1] =	wrdreg $0xFFFFFFFF  }
0x1f: {  	s28 =	simm.s32 $_size_execute0_lowered;
	s3 =	sadd.s32 s3, s5;
	[dreg:$0x0] =	wrdreg $0x0  }
0x20: {  	s5 =	sshll.u32 s28, $0x1;
	[dreg:$0x2] =	wrdreg s3  }
0x21: {  	[dreg:$0x3] =	wrdreg s5  }
0x22: {  	[dreg:$0x4] =	wrdreg $0xC0  }
0x23: {  	_ =	task [dreg:s7], $0x5FFFF  }
0x24: {  	[dreg:$0x1] =	wrdreg $0xFFFFFFFF  }
0x25: {  	[dreg:$0x0] =	wrdreg $0x60  }
0x26: {  	[dreg:$0x2] =	wrdreg s25  }
0x27: {  	[dreg:$0x3] =	wrdreg s2  }
0x28: {  	[dreg:$0x4] =	wrdreg $0x9  }
0x29: {  	_ =	task.clear_ibuf [dreg:s7], $0x5FFFF;
	_ =	strace $0x90000049  }
0x2a: {  	s29 =	simm.s32 $0x9;
	_ =	strace $0x8000004B  }
0x2b: {  	_ =	swait.ge [sflag:s29], $0x1  }
0x2c: {  	[sflag:s29] =	ssyncadd.s32 $0xFFFFFFFF  }
0x2d: {  	_ =	strace $0x9000004B  }
0x2e: {  	_ =	sfence  }
0x2f: {  	s30 =	sld [smem:$0x0];
	_ =	sdelay $0x2  }
0x30: {  	s31 =	sshll.u32 s1, $0xD;
	s1 =	sshrl.u32 s1, $0x2  }
0x31: {  	s3 =	sand.u32 $0x4000, s31;
	s1 =	sadd.s32 s1, s30  }
0x32: {  	s0 =	sor.u32 s3, s0;
	s1 =	sshll.u32 s1, $0x11  }
0x33: {  	s0 =	sor.u32 s1, s0  }
0x34: {  	s0 =	sadd.s32 $0x8F2B, s0  }
0x35: {  	[sflag:s0] =	ssyncadd.remote.s32 $0x1  }
0x36: {  	_ =	sfence.sel $0xFFFF  }
0x37: {  	[dreg:$0x0] =	wrdreg $0xFFFFFFFF;
	(pc) =	sbr.abs _section_cstart, $3  }
0x38: {  	[dreg:$0x1] =	wrdreg $0xFFFFFFFF  }
0x39: {  	_ =	task.clear_ibuf [dreg:s7], $0x2FFFF;
	_ =	strace $0x9FFFFFFF  }
0x3a: {  	(tm) =	ssettm $0x7FFFFFFF  }
0x3b: {  	_ =	shalt  }
tec
execute0_lowered:
.L_overlay_start_1:
0x0: {  	(tag) =	ssettag $0x1  }
0x1: {  	s1 =	rddreg [dreg:$0x0]  }
0x2: {  	s2 =	rddreg [dreg:$0x1]  }
0x3: {  	s0 =	rddreg [dreg:$0x2]  }
0x4: {  	s4 =	srdreg.scid;
	_ =	strace $0x8000004A;
	s6 =	simm.s32 $0x2  }
0x5: {  	s14 =	simm.s32 $0x0;
	p0 =	por $0x0, $0x0;
	s15 =	simm.s32 $0x0  }
0x6: {  	s16 =	simm.s32 $0x0;
	s7 =	simm.s32 $0x0;
	s9 =	simm.s32 $0x0  }
.Ltmp0:
0x7: {  	s10 =	simm.s32 $0x0;
	s11 =	simm.s32 $0x0;
	(pc) =	sbr.rel .LBB1_1-.Ltmp0, $4  }
0x8: {  	s12 =	simm.s32 $0x0;
	s3 =	sadd.s32 $0x5BA00, s1;
	s4 =	sshll.u32 s4, $0x4  }
0x9: {  	s1 =	stileid.u32;
	s5 =	sand.u32 $0x10, s4;
	s4 =	simm.s32 $0x1  }
0xa: {  	s8 =	simm.s32 $0x0;
	s5 =	sor.u32 s1, s5;
	[sflag:s4] =	ssyncpa.u1 $0x0  }
0xb: {  	[sflag:s6] =	ssyncpa.u1 $0x0;
	s6 =	simm.s32 $0x1000;
	s13 =	smov.u32 s5  }
.LBB1_5:
0xc: {  	p1 =	slt.u32 s8, $0x2  }
0xd: {  	p2 =	sgt.s32 @!p1 s16, $0x3F  }
0xe: {  	s17 =	smov.u32 s16;
	s18 =	sshra.s32 @!p1 s16, $0x1F;
	p2 =	por !p2, p1  }
0xf: {  	s16 =	sand.u32 @!p1 s18, s16;
	s17 =	simm.s32 @p2 $0x3F  }
0x10: {  	p3 =	sgt.s32 @!p1 s15, $0x180;
	s16 =	ssub.s32 @!p1 s17, s16  }
0x11: {  	p3 =	por !p3, p1;
	s18 =	sshra.s32 @!p1 s15, $0x1F;
	s17 =	sadd.s32 @!p1 $0xFFFFFFC1, s16  }
0x12: {  	s16 =	ssub.s32 @!p1 $0x40, s16;
	p2 =	sgt.s32 @!p1 s17, $0x0;
	s17 =	smov.u32 s15  }
0x13: {  	s15 =	sand.u32 @!p1 s18, s15;
	s17 =	simm.s32 @p3 $0x180;
	p3 =	sgt.s32 @!p1 s14, $0x640  }
0x14: {  	s18 =	smov.u32 s14;
	p2 =	por !p2, p1;
	p3 =	por !p3, p1  }
0x15: {  	s15 =	ssub.s32 @!p1 s17, s15;
	s17 =	sshra.s32 @!p1 s14, $0x1F;
	s16 =	simm.s32 @!p2 $0x0  }
0x16: {  	s18 =	simm.s32 @p3 $0x640;
	s14 =	sand.u32 @!p1 s17, s14;
	s17 =	sadd.s32 @!p1 $0xFFFFFE80, s15  }
0x17: {  	s15 =	ssub.s32 @!p1 $0x200, s15;
	s14 =	ssub.s32 @!p1 s18, s14;
	p2 =	sgt.s32 @!p1 s17, $0x7F  }
0x18: {  	s18 =	smov.u32 s12;
	s17 =	sadd.s32 @!p1 $0xFFFFF9C0, s14;
	p2 =	por !p2, p1  }
0x19: {  	s14 =	ssub.s32 @!p1 $0x6C0, s14;
	p3 =	sgt.s32 @!p1 s17, $0x7F;
	s15 =	simm.s32 @!p2 $0x0  }
0x1a: {  	s17 =	sadd.s32 $0x80, s11;
	p2 =	por !p3, p1;
	s15 =	smul.u32 @!p1 s16, s15  }
0x1b: {  	s16 =	sadd.s32 $0x80, s12;
	s14 =	simm.s32 @!p2 $0x0;
	p2 =	sgt.s32 s17, $0x6BF  }
0x1c: {  	s19 =	smov.u32 s13;
	s18 =	smov.u32 @p2 s16  }
0x1d: {  	s14 =	smul.u32 @!p1 s14, s15;
	s15 =	sadd.s32 $0x20, s13;
	p3 =	sgt.s32 s18, $0x1FF  }
0x1e: {  	s8 =	sadd.s32 $0x1, s8;
	p0 =	por !p0, !p0;
	s19 =	smov.u32 @p3 s15  }
0x1f: {  	s20 =	simm.s32 @!p1 $0x2;
	s17 =	simm.s32 @p2 $0x0;
	p2 =	sgt.s32 s19, $0x3F  }
0x20: {  	s16 =	smov.u32 s10;
	s19 =	smov.u32 @p2 s5;
	p2 =	sne.s32 s8, $0x72  }
.Ltmp1:
0x21: {  	s10 =	smov.u32 s13;
	s14 =	sand.u32 @!p1 $0x3FFFFFFF, s14;
	(pc) =	sbr.rel @!p2 .LBB1_6-.Ltmp1, $4  }
0x22: {  	s18 =	simm.s32 @p3 $0x0;
	s15 =	smov.u32 s9;
	s9 =	smov.u32 s12  }
0x23: {  	_ =	swait.ge @!p1 [sflag:s20], s14;
	s21 =	ssub.s32 @!p1 $0x0, s14;
	s14 =	smov.u32 s7  }
0x24: {  	s7 =	smov.u32 s11;
	s11 =	smov.u32 s17;
	[sflag:s20] =	ssyncset.done @!p1 $0x0  }
0x25: {  	s12 =	smov.u32 s18;
	[sflag:s20] =	ssyncadd.s32 @!p1 s21;
	s13 =	smov.u32 s19  }
.LBB1_1:
0x26: {  	p1 =	sgt.u32 s8, $0x6F  }
0x27: {  	s17 =	sshrl.u32 @!p1 s12, $0x3  }
0x28: {  	s18 =	sshll.u32 @!p1 s11, $0x3;
	s17 =	smul.u32 @!p1 $0x3800, s17  }
0x29: {  	s19 =	sshll.u32 @!p1 s12, $0x7;
	s18 =	sand.u32 @!p1 $0xFFFFFC00, s18  }
0x2a: {  	s17 =	sadd.s32 @!p1 s17, s18;
	s18 =	sand.u32 @!p1 $0x380, s19  }
0x2b: {  	s17 =	sor.u32 @!p1 s18, s17  }
0x2c: {  	s18 =	sshrl.u32 @!p1 s17, $0x8  }
0x2d: {  	s18 =	smulhi.u32 @!p1 $0x24924925, s18;
	_ =	sdelay $0x1  }
0x2e: {  	s20 =	sand.u32 @!p1 $0x7F, s11;
	s19 =	sxor.u32 @!p1 $0xFFFFFFFF, s8;
	s21 =	smul.u32 @!p1 $0x700, s18  }
0x2f: {  	s17 =	sor.u32 @!p1 s20, s17;
	s20 =	smul.u32 @!p1 $0x1C000, s13;
	s18 =	sand.u32 @!p1 $0x1FF, s18  }
0x30: {  	s19 =	sshll.u32 @!p1 s19, $0xE;
	s18 =	smul.u32 @!p1 $0xE0, s18;
	s17 =	ssub.s32 @!p1 s17, s21  }
0x31: {  	s19 =	sand.u32 @!p1 $0x4000, s19;
	s20 =	sadd.s32 @!p1 s3, s20;
	s21 =	sand.u32 @!p1 $0x7, s17  }
0x32: {  	s17 =	sshrl.u32 @!p1 s17, $0x3;
	s18 =	sadd.s32 @!p1 s18, s20;
	s20 =	sshll.u32 @!p1 s21, $0x12  }
0x33: {  	s17 =	sadd.s32 @!p1 s17, s18;
	s18 =	sor.u32 @!p1 $0x400, s20;
	s20 =	simm.s32 @!p1 $0x3800  }
0x34: {  	[tilespmem:s19], [sflag:$0x1] =	stream.strided.gather @!p1 [hbm4b:s17+s18], $0x4000, s20, s18, $0x38;
	[tilespmem:$0x10100] =	vst v63  }
0x35: {  	p1 =	seq.s32 s8, $0x0  }
0x36: {  	p2 =	seq.s32 @!p1 s8, $0x71  }
0x37: {  	p1 =	por p1, p2  }
.Ltmp2:
0x38: {  	_ = 	snop;
	(pc) =	sbr.rel @p1 .LBB1_5-.Ltmp2, $1  }
0x39: {  	_ =	sdelay $0x3  }
0x3a: {  	s17 =	simm.s32 $0x1  }
0x3b: {  	_ =	swait.ge [sflag:s4], $0x4000;
	s17 =	simm.s32 @!p0 $0x0  }
0x3c: {  	[sflag:s4] =	ssyncset.done $0x0;
	s18 =	sshll.u32 s17, $0xE  }
0x3d: {  	[sflag:s4] =	ssyncadd.s32 $0xFFFFC000;
	s18 =	sor.u32 $0x40, s18  }
0x3e: {  	s17 =	smul.u32 $0x10200, s17;
	v0 =	vld [tilespmem:s18+$0x30]  }
0x3f: {  	v1 =	vld [tilespmem:s18+$0xFFFFFFD0]  }
0x40: {  	s17 =	sshrl.u32 s17, $0x2;
	v5 =	vld [tilespmem:s18+$0xFFFFFFE0]  }
0x41: {  	v6 =	vld [tilespmem:s18+$0xFFFFFFF0];
	s20 =	sor.u32 $0x8000, s17  }
0x42: {  	s31 =	sand.u32 $0x1, s8;
	v4 =	vld [tilespmem:s18+$0x0];
	s19 =	sadd.s32 $0x0, s20  }
0x43: {  	v3 =	vld [tilespmem:s18+$0x10];
	s17 =	smul.u32 $0x10200, s31;
	[tilespmem:s19+$0x3870 ss:$0x81] =	vst.msk $0xffff, v0  }
0x44: {  	v2 =	vld [tilespmem:s18+$0x20];
	[tilespmem:s19+$0x810 ss:$0x81] =	vst.msk $0xffff, v1  }
0x45: {  	s17 =	sshrl.u32 s17, $0x2;
	v1 =	vld [tilespmem:s18+$0xFFFFFFC0];
	[tilespmem:s19+$0x1020 ss:$0x81] =	vst.msk $0xffff, v5;
	s18 =	sadd.s32 $0x80, s18  }
0x46: {  	s21 =	simm.s32 $0x4;
	s22 =	simm.s32 $0x8;
	s17 =	sor.u32 $0x8000, s17;
	[tilespmem:s19+$0x1830 ss:$0x81] =	vst.msk $0xffff, v6;
	v0 =	vld [tilespmem:s18+$0x30]  }
.LBB1_3:
0x47: {  	p1 =	sne.s32 s22, $0x1FC;
	v5 =	vld [tilespmem:s18+$0xFFFFFFD0];
	[tilespmem:s19+$0x2040 ss:$0x81] =	vst.msk $0xffff, v4  }
0x48: {  	v6 =	vld [tilespmem:s18+$0xFFFFFFE0];
	[tilespmem:s19+$0x2850 ss:$0x81] =	vst.msk $0xffff, v3  }
0x49: {  	s23 =	sshra.s32 s21, $0x2;
	s21 =	smov.u32 s22;
	v7 =	vld [tilespmem:s18+$0xFFFFFFF0];
	[tilespmem:s19+$0x3060 ss:$0x81] =	vst.msk $0xffff, v2  }
.Ltmp3:
0x4a: {  	v4 =	vld [tilespmem:s18+$0x0];
	[tilespmem:s19+$0x0 ss:$0x81] =	vst.msk $0xffff, v1;
	s19 =	sadd.s32 s23, s20;
	(pc) =	sbr.rel @p1 .LBB1_3-.Ltmp3, $4  }
0x4b: {  	v3 =	vld [tilespmem:s18+$0x10];
	[tilespmem:s19+$0x3870 ss:$0x81] =	vst.msk $0xffff, v0  }
0x4c: {  	[tilespmem:s19+$0x810 ss:$0x81] =	vst.msk $0xffff, v5;
	v2 =	vld [tilespmem:s18+$0x20]  }
0x4d: {  	v1 =	vld [tilespmem:s18+$0xFFFFFFC0];
	[tilespmem:s19+$0x1020 ss:$0x81] =	vst.msk $0xffff, v6;
	s18 =	sadd.s32 $0x80, s18  }
0x4e: {  	s22 =	sadd.s32 $0x4, s22;
	v0 =	vld [tilespmem:s18+$0x30];
	[tilespmem:s19+$0x1830 ss:$0x81] =	vst.msk $0xffff, v7  }
0x4f: {  	s22 =	sshll.u32 s7, $0x9  }
0x50: {  	s23 =	sshll.u32 s9, $0x3;
	s24 =	sshll.u32 s7, $0x7;
	p1 =	sgt.s32 s10, $0x3F  }
0x51: {  	s25 =	smov.u32 s10;
	s26 =	sshra.s32 s10, $0x1F;
	s21 =	sshra.s32 s21, $0x2  }
0x52: {  	p2 =	sgt.s32 s9, $0x180;
	s27 =	sshra.s32 s9, $0x1F;
	s22 =	sand.u32 $0xFFFFF000, s22  }
0x53: {  	s23 =	sand.u32 $0xFFFFFC00, s23;
	s28 =	sand.u32 $0x200, s24;
	s25 =	simm.s32 @!p1 $0x3F  }
0x54: {  	s26 =	sand.u32 s26, s10;
	s20 =	sadd.s32 s21, s20;
	s31 =	sand.u32 s27, s9  }
0x55: {  	s27 =	smov.u32 s7;
	s24 =	sand.u32 $0x180, s24;
	s22 =	sadd.s32 s23, s22  }
0x56: {  	s30 =	ssub.s32 s25, s26;
	s26 =	smov.u32 s9;
	s22 =	sor.u32 s28, s22  }
0x57: {  	s25 =	sadd.s32 $0xFFFFFFC1, s30;
	s26 =	simm.s32 @!p2 $0x180;
	p2 =	sgt.s32 s7, $0x640  }
0x58: {  	v5 =	vld [tilespmem:s18+$0xFFFFFFD0];
	[tilespmem:s19+$0x2040 ss:$0x81] =	vst.msk $0xffff, v4;
	s28 =	sshra.s32 s7, $0x1F;
	s23 =	ssub.s32 $0x40, s30;
	s22 =	sshrl.u32 s22, $0x9  }
0x59: {  	v58 =	vld [tilespmem:s18+$0xFFFFFFE0];
	[tilespmem:s19+$0x2850 ss:$0x81] =	vst.msk $0xffff, v3;
	p1 =	sgt.s32 s25, $0x0;
	s25 =	ssub.s32 s26, s31;
	s27 =	simm.s32 @!p2 $0x640  }
0x5a: {  	v59 =	vld [tilespmem:s18+$0xFFFFFFF0];
	[tilespmem:s19+$0x3060 ss:$0x81] =	vst.msk $0xffff, v2;
	s26 =	sand.u32 s28, s7;
	s29 =	smulhi.u32 $0x4BDA13, s22;
	s30 =	sadd.s32 $0xFFFFFE80, s25  }
0x5b: {  	v60 =	vld [tilespmem:s18+$0x0];
	[tilespmem:s19+$0x0 ss:$0x81] =	vst.msk $0xffff, v1;
	s23 =	simm.s32 @p1 $0x0;
	s25 =	ssub.s32 $0x200, s25;
	p1 =	sgt.s32 s30, $0x7F  }
0x5c: {  	v61 =	vld [tilespmem:s18+$0x10];
	[tilespmem:s20+$0x3870 ss:$0x81] =	vst.msk $0xffff, v0;
	s21 =	sshrl.u32 s29, $0x1;
	s29 =	ssub.s32 s27, s26;
	s27 =	smul.u32 $0x1B000, s10  }
0x5d: {  	v62 =	vld [tilespmem:s18+$0x20];
	[tilespmem:s20+$0x810 ss:$0x81] =	vst.msk $0xffff, v5;
	s25 =	simm.s32 @p1 $0x0;
	s26 =	sand.u32 $0x78, s9;
	s21 =	smul.u32 $0x6C0, s21  }
0x5e: {  	v63 =	vld [tilespmem:s18+$0xFFFFFFC0];
	[tilespmem:s20+$0x1020 ss:$0x81] =	vst.msk $0xffff, v58;
	s31 =	sadd.s32 $0xFFFFF9C0, s29;
	s19 =	ssub.s32 $0x6C0, s29;
	s23 =	smul.u32 s23, s25  }
0x5f: {  	[tilespmem:s20+$0x1830 ss:$0x81] =	vst.msk $0xffff, v59;
	s18 =	sor.u32 s26, s24;
	s29 =	sand.u32 $0x7, s9;
	p2 =	sgt.s32 s31, $0x7F  }
.Ltmp4:
0x60: {  	[tilespmem:s20+$0x2040 ss:$0x81] =	vst.msk $0xffff, v60;
	s18 =	sshrl.u32 s18, $0x3;
	s19 =	simm.s32 @p2 $0x0;
	(pc) =	sbr.rel .LBB1_5-.Ltmp4, $4  }
0x61: {  	[tilespmem:s20+$0x2850 ss:$0x81] =	vst.msk $0xffff, v61;
	s28 =	sadd.s32 s2, s27;
	s21 =	ssub.s32 s22, s21;
	s19 =	smul.u32 s19, s23  }
0x62: {  	[tilespmem:s20+$0x3060 ss:$0x81] =	vst.msk $0xffff, v62;
	s30 =	sshll.u32 s29, $0x12;
	s18 =	sadd.s32 s18, s28;
	s21 =	sshll.u32 s21, $0x6  }
0x63: {  	[tilespmem:s20+$0x0 ss:$0x81] =	vst.msk $0xffff, v63;
	s31 =	sor.u32 $0x400, s30;
	s18 =	sadd.s32 s21, s18;
	s19 =	sand.u32 $0x3FFFFFFF, s19  }
0x64: {  	[hbm4b:s18+s31] =	stream.strided.scatter [tilespmem:s17], [sflag:$0x2], s19, s6, s31, $0x20;
	[tilespmem:$0x10100] =	vst v63  }
.LBB1_6:
0x65: {  	_ =	sfence.sel $0x180000  }
0x66: {  	s2 =	simm.s32 $0x1;
	[bflag:$0x0] =	sbarrier.arrive $0xFFFF  }
0x67: {  	s31 =	simm.s32 $0x2;
	[sflag:s2] =	ssyncpa.u1 $0x1  }
0x68: {  	[sflag:s31] =	ssyncpa.u1 $0x1  }
0x69: {  	p0 =	sne.s32 s1, $0x0;
	_ =	strace $0x9000004A  }
0x6a: {  	s0 =	sadd.s32 @!p0 $0x100000, s0;
	[bflag:$0x2] =	sbarrier.arrive $0xFFFF  }
0x6b: {  	[sflag:s0] =	ssyncadd.tile.s32 @!p0 $0x1;
	_ =	shalt  }
.Lfunc_end1:
_tile_overlayer_lowered:
.L_overlay_start_2:
0x6c: {  	(tag) =	ssettag $0x2  }
0x6d: {  	s0 =	rddreg [dreg:$0x0];
	s2 =	stileid.u32  }
0x6e: {  	s1 =	rddreg [dreg:$0x1];
	p0 =	sne.s32 s2, $0x0  }
0x6f: {  	s3 =	rddreg [dreg:$0x2];
	[bflag:$0x3] =	sbarrier.arrive $0xFFFF;
	s2 =	simm.s32 @!p0 $0x1C01  }
0x70: {  	[timem:s3], [sflag:s2] =	dma.local @!p0 [hbm:s0], s1  }
0x71: {  	s0 =	simm.s32 @!p0 $0x1  }
0x72: {  	_ =	swait.ge @!p0 [sflag:s0], s1  }
0x73: {  	s1 =	ssub.s32 @!p0 $0x0, s1;
	[sflag:s0] =	ssyncset.done @!p0 $0x0  }
0x74: {  	[sflag:s0] =	ssyncadd.s32 @!p0 s1  }
0x75: {  	[bflag:$0x3] =	sbarrier.arrive $0xFFFF  }
0x76: {  	_ =	shalt  }

</sc_bundles>
